<compile_context>
chip_gen: v7x
topology: tpu7x:2x2x1
jax: 0.10.2.dev20260603
libtpu: 0.0.44.dev20260713+nightly
codegen_flags: <defaults>
</compile_context>

<pallas_src>
import functools

import jax
import jax.numpy as jnp
from jax import lax
from jax.experimental import pallas as pl
from jax.experimental.pallas import tpu as pltpu
from jax.experimental.pallas import tpu_sc as plsc

_SCALE = 64.0
_B = 16384
_C = 1000
_L = 16
_NS = 16
_BPW = _B // _NS
_ICH = 128
_NCH = _BPW // _ICH
_COEF = 2.0 / (_B * _SCALE)

_mesh = plsc.VectorSubcoreMesh(
    core_axis_name="c", subcore_axis_name="s", num_cores=1)


@functools.partial(
    pl.kernel,
    mesh=_mesh,
    out_type=jax.ShapeDtypeStruct((_L,), jnp.float32),
    scratch_types=[
        pltpu.VMEM((_BPW,), jnp.int32),
        pltpu.VMEM((_NCH, _ICH), jnp.int32),
        pltpu.VMEM((_NCH, _ICH), jnp.float32),
        pltpu.VMEM((_L,), jnp.float32),
        pltpu.VMEM((_NS * _L,), jnp.float32),
        pltpu.VMEM_SHARED((_NS * _L,), jnp.float32),
        pltpu.SemaphoreType.DMA,
    ],
)
def _center_kernel(flat_hbm, label_hbm, out_hbm, lab_v, idx_v, val_v,
                   vec_v, all_v, shared, sem):
    sid = lax.axis_index("s")
    base = sid * _BPW

    pltpu.sync_copy(label_hbm.at[pl.ds(base, _BPW)], lab_v)

    lanes = lax.iota(jnp.int32, _L)
    row_hi = (base >> 7) << 10

    def _fire(k, _):
        for j in range(_ICH // _L):
            off = k * _ICH + j * _L
            lab = lab_v[pl.ds(off, _L)]
            row_part = row_hi + (k << 10) + j * _L + lanes
            idx_v[k, pl.ds(j * _L, _L)] = (
                ((lab >> 3) << 17) + ((lab & 7) << 7) + row_part)
        pltpu.async_copy(flat_hbm.at[idx_v.at[k]], val_v.at[k], sem)
        return 0

    lax.fori_loop(0, _NCH, _fire, 0, unroll=False)

    def _drain(k, acc):
        pltpu.make_async_copy(
            flat_hbm.at[idx_v.at[k]], val_v.at[k], sem).wait()
        for j in range(_ICH // _L):
            acc = acc + val_v[k, pl.ds(j * _L, _L)]
        return acc

    acc = lax.fori_loop(
        0, _NCH, _drain, jnp.zeros((_L,), jnp.float32), unroll=False)

    vec_v[...] = acc
    pltpu.sync_copy(vec_v, shared.at[pl.ds(sid * _L, _L)])
    plsc.subcore_barrier()

    @pl.when(sid == 0)
    def _():
        pltpu.sync_copy(shared, all_v)
        tot = jnp.zeros((_L,), jnp.float32)
        for t in range(_NS):
            tot = tot + all_v[pl.ds(t * _L, _L)]
        s = tot[0]
        for i in range(1, _L):
            s = s + tot[i]
        loss = 2.0 - _COEF * s
        vec_v[...] = jnp.broadcast_to(loss, (_L,))
        pltpu.sync_copy(vec_v, out_hbm)


def kernel(feature, label):
    b, c = feature.shape
    flat = feature.T.reshape(c // 8, 8, b // 128, 128).transpose(
        0, 2, 1, 3).reshape(-1)
    out = _center_kernel(flat, label)
    return out[0]

# --- scband reference (transcript-rebuilt; emitter-appended) ---
"""Pipeline reference for scband-center-11184094839250 (READ-ONLY COPY).

The authoritative reference and input builder live on the scoring server;
editing this copy changes nothing except your own understanding.
"""

import jax, jax.numpy as jnp
import numpy as np

SCALE = 64.0
B = 16384
C = 1000

def setup_inputs(seed: int = 0) -> dict:
    key = jax.random.key(seed)
    k1, k2 = jax.random.split(key)
    feature = jax.random.normal(k1, (B, C), dtype=jnp.float32)
    label = jax.random.randint(k2, (B,), 0, C, dtype=jnp.int32)
    return {"feature": feature, "label": label}

def reference(feature, label):
    b, c = feature.shape
    # torch: one_hot = zeros_like(feature); one_hot.scatter_(1, label.view(-1,1), 1)
    one_hot = jnp.zeros((b, c), dtype=feature.dtype).at[jnp.arange(b), label].set(1.0)
    feature_s = feature * one_hot / SCALE
    loss_center = 2.0 - 2.0 * jnp.sum(feature_s) / b
    return loss_center

if __name__ == "__main__":
    import jax
    _d = setup_inputs()
    print(jax.jit(kernel)(*tuple(_d.values())))

</pallas_src>

<mosaic_0001>
#map = affine_map<(d0, d1) -> (0)>
module attributes {stable_mosaic.version = 14 : i64} {
  func.func @_center_kernel(%arg0: i32, %arg1: i32, %arg2: memref<16384000xf32, #tpu.memory_space<hbm>>, %arg3: memref<16384xi32, #tpu.memory_space<hbm>>, %arg4: memref<16xf32, #tpu.memory_space<hbm>>, %arg5: memref<1024xi32, #tpu.memory_space<vmem>>, %arg6: memref<8x128xi32, #tpu.memory_space<vmem>>, %arg7: memref<8x128xf32, #tpu.memory_space<vmem>>, %arg8: memref<16xf32, #tpu.memory_space<vmem>>, %arg9: memref<256xf32, #tpu.memory_space<vmem>>, %arg10: memref<256xf32, #tpu.memory_space<vmem_shared>>, %arg11: memref<!tpu.dma_semaphore, #tpu.memory_space<semaphore_mem>>) attributes {dimension_semantics = [#tpu.dimension_semantics<core_parallel>, #tpu.dimension_semantics<subcore_parallel>], iteration_bounds = array<i64: 1, 16>, scalar_prefetch = 0 : i64, scratch_operands = 7 : i64, tpu.core_type = #tpu.core_type<sc_vector_subcore>, window_params = [{transform_indices = #map}, {transform_indices = #map}, {transform_indices = #map}]} {
    %mul3A = arith.constant 1024 : i32
    %mul3A_0 = arith.muli %arg1, %mul3A : i32
    "tpu.region"() ({
      %run_scoped3A = tpu.sem_alloc : memref<!tpu.dma_semaphore, #tpu.memory_space<semaphore_mem>>
      %dma_start3A = tpu.memref_slice %arg3[%mul3A_0] : memref<16384xi32, #tpu.memory_space<hbm>> -> memref<1024xi32, #tpu.memory_space<hbm>>
      %dma_start3A_23 = tpu.memref_slice %arg3[%mul3A_0] : memref<16384xi32, #tpu.memory_space<hbm>> -> memref<1024xi32, #tpu.memory_space<hbm>>
      tpu.enqueue_dma source(%dma_start3A_23 : memref<1024xi32, #tpu.memory_space<hbm>>) target(%arg5 : memref<1024xi32, #tpu.memory_space<vmem>>) target_semaphore(%run_scoped3A : memref<!tpu.dma_semaphore, #tpu.memory_space<semaphore_mem>>)
      %dma_wait3A = tpu.memref_slice %arg3[%mul3A_0] : memref<16384xi32, #tpu.memory_space<hbm>> -> memref<1024xi32, #tpu.memory_space<hbm>>
      %dma_wait3A_24 = tpu.memref_slice %arg3[%mul3A_0] : memref<16384xi32, #tpu.memory_space<hbm>> -> memref<1024xi32, #tpu.memory_space<hbm>>
      tpu.wait_dma2 semaphore(%run_scoped3A : memref<!tpu.dma_semaphore, #tpu.memory_space<semaphore_mem>>) src(%dma_wait3A_24 : memref<1024xi32, #tpu.memory_space<hbm>>) dst(%arg5 : memref<1024xi32, #tpu.memory_space<vmem>>)
      tpu.yield
    }) : () -> ()
    %iota3A = tpu.iota {dimensions = array<i32: 0>} : vector<16xi32>
    %shift_right_arithmetic3A = arith.constant 7 : i32
    %shift_right_arithmetic3A_1 = arith.shrsi %mul3A_0, %shift_right_arithmetic3A : i32
    %shift_left3A = arith.constant 10 : i32
    %shift_left3A_2 = arith.shli %shift_right_arithmetic3A_1, %shift_left3A : i32
    %scan3A = arith.constant 0 : i32
    %scan3A_3 = arith.constant 0 : i32
    %scan3A_4 = arith.constant 8 : i32
    %scan3A_5 = arith.addi %scan3A_3, %scan3A_4 : i32
    %scan3A_6 = arith.constant 1 : i32
    %scan3A_7 = scf.for %scan3A_23 = %scan3A_3 to %scan3A_5 step %scan3A_6 iter_args(%scan3A_24 = %scan3A) -> (i32)  : i32 {
      %mul3A_25 = arith.constant 128 : i32
      %mul3A_26 = arith.muli %scan3A_23, %mul3A_25 : i32
      %add3A = arith.constant 0 : i32
      %add3A_27 = arith.addi %mul3A_26, %add3A : i32
      %get3A = arith.index_cast %add3A_27 : i32 to index
      %get3A_28 = tpu.vector_load %arg5[%get3A] {strides = array<i32>} : memref<1024xi32, #tpu.memory_space<vmem>>, vector<16xi32>,
      %get3A_29 = vector.shape_cast %get3A_28 : vector<16xi32> to vector<16xi32>
      %shift_left3A_30 = arith.constant 10 : i32
      %shift_left3A_31 = arith.shli %scan3A_23, %shift_left3A_30 : i32
      %add3A_32 = arith.addi %shift_left3A_2, %shift_left3A_31 : i32
      %add3A_33 = arith.constant 0 : i32
      %add3A_34 = arith.addi %add3A_32, %add3A_33 : i32
      %add3A_35 = vector.broadcast %add3A_34 : i32 to vector<16xi32>
      %add3A_36 = arith.addi %add3A_35, %iota3A : vector<16xi32>
      %shift_right_arithmetic3A_37 = arith.constant 3 : i32
      %shift_right_arithmetic3A_38 = vector.broadcast %shift_right_arithmetic3A_37 : i32 to vector<16xi32>
      %shift_right_arithmetic3A_39 = arith.shrsi %get3A_29, %shift_right_arithmetic3A_38 : vector<16xi32>
      %shift_left3A_40 = arith.constant 17 : i32
      %shift_left3A_41 = vector.broadcast %shift_left3A_40 : i32 to vector<16xi32>
      %shift_left3A_42 = arith.shli %shift_right_arithmetic3A_39, %shift_left3A_41 : vector<16xi32>
      %and3A = arith.constant 7 : i32
      %and3A_43 = vector.broadcast %and3A : i32 to vector<16xi32>
      %and3A_44 = arith.andi %get3A_29, %and3A_43 : vector<16xi32>
      %shift_left3A_45 = arith.constant 7 : i32
      %shift_left3A_46 = vector.broadcast %shift_left3A_45 : i32 to vector<16xi32>
      %shift_left3A_47 = arith.shli %and3A_44, %shift_left3A_46 : vector<16xi32>
      %add3A_48 = arith.addi %shift_left3A_42, %shift_left3A_47 : vector<16xi32>
      %add3A_49 = arith.addi %add3A_48, %add3A_36 : vector<16xi32>
      %swap3A_50 = arith.index_cast %scan3A_23 : i32 to index
      %swap3A_51 = arith.constant 0 : index
      %swap3A_52 = tpu.vector_load %arg6[%swap3A_50, %swap3A_51] {strides = array<i32>} : memref<8x128xi32, #tpu.memory_space<vmem>>, vector<1x16xi32>,
      %swap3A_53 = vector.shape_cast %swap3A_52 : vector<1x16xi32> to vector<16xi32>
      %swap3A_54 = vector.shape_cast %add3A_49 : vector<16xi32> to vector<1x16xi32>
      tpu.vector_store %arg6[%swap3A_50, %swap3A_51], %swap3A_54 {strides = array<i32>} : memref<8x128xi32, #tpu.memory_space<vmem>>, vector<1x16xi32>,
      %mul3A_55 = arith.constant 128 : i32
      %mul3A_56 = arith.muli %scan3A_23, %mul3A_55 : i32
      %add3A_57 = arith.constant 16 : i32
      %add3A_58 = arith.addi %mul3A_56, %add3A_57 : i32
      %get3A_59 = arith.index_cast %add3A_58 : i32 to index
      %get3A_60 = tpu.vector_load %arg5[%get3A_59] {strides = array<i32>} : memref<1024xi32, #tpu.memory_space<vmem>>, vector<16xi32>,
      %get3A_61 = vector.shape_cast %get3A_60 : vector<16xi32> to vector<16xi32>
      %shift_left3A_62 = arith.constant 10 : i32
      %shift_left3A_63 = arith.shli %scan3A_23, %shift_left3A_62 : i32
      %add3A_64 = arith.addi %shift_left3A_2, %shift_left3A_63 : i32
      %add3A_65 = arith.constant 16 : i32
      %add3A_66 = arith.addi %add3A_64, %add3A_65 : i32
      %add3A_67 = vector.broadcast %add3A_66 : i32 to vector<16xi32>
      %add3A_68 = arith.addi %add3A_67, %iota3A : vector<16xi32>
      %shift_right_arithmetic3A_69 = arith.constant 3 : i32
      %shift_right_arithmetic3A_70 = vector.broadcast %shift_right_arithmetic3A_69 : i32 to vector<16xi32>
      %shift_right_arithmetic3A_71 = arith.shrsi %get3A_61, %shift_right_arithmetic3A_70 : vector<16xi32>
      %shift_left3A_72 = arith.constant 17 : i32
      %shift_left3A_73 = vector.broadcast %shift_left3A_72 : i32 to vector<16xi32>
      %shift_left3A_74 = arith.shli %shift_right_arithmetic3A_71, %shift_left3A_73 : vector<16xi32>
      %and3A_75 = arith.constant 7 : i32
      %and3A_76 = vector.broadcast %and3A_75 : i32 to vector<16xi32>
      %and3A_77 = arith.andi %get3A_61, %and3A_76 : vector<16xi32>
      %shift_left3A_78 = arith.constant 7 : i32
      %shift_left3A_79 = vector.broadcast %shift_left3A_78 : i32 to vector<16xi32>
      %shift_left3A_80 = arith.shli %and3A_77, %shift_left3A_79 : vector<16xi32>
      %add3A_81 = arith.addi %shift_left3A_74, %shift_left3A_80 : vector<16xi32>
      %add3A_82 = arith.addi %add3A_81, %add3A_68 : vector<16xi32>
      %swap3A_83 = arith.index_cast %scan3A_23 : i32 to index
      %swap3A_84 = arith.constant 16 : index
      %swap3A_85 = tpu.vector_load %arg6[%swap3A_83, %swap3A_84] {strides = array<i32>} : memref<8x128xi32, #tpu.memory_space<vmem>>, vector<1x16xi32>,
      %swap3A_86 = vector.shape_cast %swap3A_85 : vector<1x16xi32> to vector<16xi32>
      %swap3A_87 = vector.shape_cast %add3A_82 : vector<16xi32> to vector<1x16xi32>
      tpu.vector_store %arg6[%swap3A_83, %swap3A_84], %swap3A_87 {strides = array<i32>} : memref<8x128xi32, #tpu.memory_space<vmem>>, vector<1x16xi32>,
      %mul3A_88 = arith.constant 128 : i32
      %mul3A_89 = arith.muli %scan3A_23, %mul3A_88 : i32
      %add3A_90 = arith.constant 32 : i32
      %add3A_91 = arith.addi %mul3A_89, %add3A_90 : i32
      %get3A_92 = arith.index_cast %add3A_91 : i32 to index
      %get3A_93 = tpu.vector_load %arg5[%get3A_92] {strides = array<i32>} : memref<1024xi32, #tpu.memory_space<vmem>>, vector<16xi32>,
      %get3A_94 = vector.shape_cast %get3A_93 : vector<16xi32> to vector<16xi32>
      %shift_left3A_95 = arith.constant 10 : i32
      %shift_left3A_96 = arith.shli %scan3A_23, %shift_left3A_95 : i32
      %add3A_97 = arith.addi %shift_left3A_2, %shift_left3A_96 : i32
      %add3A_98 = arith.constant 32 : i32
      %add3A_99 = arith.addi %add3A_97, %add3A_98 : i32
      %add3A_100 = vector.broadcast %add3A_99 : i32 to vector<16xi32>
      %add3A_101 = arith.addi %add3A_100, %iota3A : vector<16xi32>
      %shift_right_arithmetic3A_102 = arith.constant 3 : i32
      %shift_right_arithmetic3A_103 = vector.broadcast %shift_right_arithmetic3A_102 : i32 to vector<16xi32>
      %shift_right_arithmetic3A_104 = arith.shrsi %get3A_94, %shift_right_arithmetic3A_103 : vector<16xi32>
      %shift_left3A_105 = arith.constant 17 : i32
      %shift_left3A_106 = vector.broadcast %shift_left3A_105 : i32 to vector<16xi32>
      %shift_left3A_107 = arith.shli %shift_right_arithmetic3A_104, %shift_left3A_106 : vector<16xi32>
      %and3A_108 = arith.constant 7 : i32
      %and3A_109 = vector.broadcast %and3A_108 : i32 to vector<16xi32>
      %and3A_110 = arith.andi %get3A_94, %and3A_109 : vector<16xi32>
      %shift_left3A_111 = arith.constant 7 : i32
      %shift_left3A_112 = vector.broadcast %shift_left3A_111 : i32 to vector<16xi32>
      %shift_left3A_113 = arith.shli %and3A_110, %shift_left3A_112 : vector<16xi32>
      %add3A_114 = arith.addi %shift_left3A_107, %shift_left3A_113 : vector<16xi32>
      %add3A_115 = arith.addi %add3A_114, %add3A_101 : vector<16xi32>
      %swap3A_116 = arith.index_cast %scan3A_23 : i32 to index
      %swap3A_117 = arith.constant 32 : index
      %swap3A_118 = tpu.vector_load %arg6[%swap3A_116, %swap3A_117] {strides = array<i32>} : memref<8x128xi32, #tpu.memory_space<vmem>>, vector<1x16xi32>,
      %swap3A_119 = vector.shape_cast %swap3A_118 : vector<1x16xi32> to vector<16xi32>
      %swap3A_120 = vector.shape_cast %add3A_115 : vector<16xi32> to vector<1x16xi32>
      tpu.vector_store %arg6[%swap3A_116, %swap3A_117], %swap3A_120 {strides = array<i32>} : memref<8x128xi32, #tpu.memory_space<vmem>>, vector<1x16xi32>,
      %mul3A_121 = arith.constant 128 : i32
      %mul3A_122 = arith.muli %scan3A_23, %mul3A_121 : i32
      %add3A_123 = arith.constant 48 : i32
      %add3A_124 = arith.addi %mul3A_122, %add3A_123 : i32
      %get3A_125 = arith.index_cast %add3A_124 : i32 to index
      %get3A_126 = tpu.vector_load %arg5[%get3A_125] {strides = array<i32>} : memref<1024xi32, #tpu.memory_space<vmem>>, vector<16xi32>,
      %get3A_127 = vector.shape_cast %get3A_126 : vector<16xi32> to vector<16xi32>
      %shift_left3A_128 = arith.constant 10 : i32
      %shift_left3A_129 = arith.shli %scan3A_23, %shift_left3A_128 : i32
      %add3A_130 = arith.addi %shift_left3A_2, %shift_left3A_129 : i32
      %add3A_131 = arith.constant 48 : i32
      %add3A_132 = arith.addi %add3A_130, %add3A_131 : i32
      %add3A_133 = vector.broadcast %add3A_132 : i32 to vector<16xi32>
      %add3A_134 = arith.addi %add3A_133, %iota3A : vector<16xi32>
      %shift_right_arithmetic3A_135 = arith.constant 3 : i32
      %shift_right_arithmetic3A_136 = vector.broadcast %shift_right_arithmetic3A_135 : i32 to vector<16xi32>
      %shift_right_arithmetic3A_137 = arith.shrsi %get3A_127, %shift_right_arithmetic3A_136 : vector<16xi32>
      %shift_left3A_138 = arith.constant 17 : i32
      %shift_left3A_139 = vector.broadcast %shift_left3A_138 : i32 to vector<16xi32>
      %shift_left3A_140 = arith.shli %shift_right_arithmetic3A_137, %shift_left3A_139 : vector<16xi32>
      %and3A_141 = arith.constant 7 : i32
      %and3A_142 = vector.broadcast %and3A_141 : i32 to vector<16xi32>
      %and3A_143 = arith.andi %get3A_127, %and3A_142 : vector<16xi32>
      %shift_left3A_144 = arith.constant 7 : i32
      %shift_left3A_145 = vector.broadcast %shift_left3A_144 : i32 to vector<16xi32>
      %shift_left3A_146 = arith.shli %and3A_143, %shift_left3A_145 : vector<16xi32>
      %add3A_147 = arith.addi %shift_left3A_140, %shift_left3A_146 : vector<16xi32>
      %add3A_148 = arith.addi %add3A_147, %add3A_134 : vector<16xi32>
      %swap3A_149 = arith.index_cast %scan3A_23 : i32 to index
      %swap3A_150 = arith.constant 48 : index
      %swap3A_151 = tpu.vector_load %arg6[%swap3A_149, %swap3A_150] {strides = array<i32>} : memref<8x128xi32, #tpu.memory_space<vmem>>, vector<1x16xi32>,
      %swap3A_152 = vector.shape_cast %swap3A_151 : vector<1x16xi32> to vector<16xi32>
      %swap3A_153 = vector.shape_cast %add3A_148 : vector<16xi32> to vector<1x16xi32>
      tpu.vector_store %arg6[%swap3A_149, %swap3A_150], %swap3A_153 {strides = array<i32>} : memref<8x128xi32, #tpu.memory_space<vmem>>, vector<1x16xi32>,
      %mul3A_154 = arith.constant 128 : i32
      %mul3A_155 = arith.muli %scan3A_23, %mul3A_154 : i32
      %add3A_156 = arith.constant 64 : i32
      %add3A_157 = arith.addi %mul3A_155, %add3A_156 : i32
      %get3A_158 = arith.index_cast %add3A_157 : i32 to index
      %get3A_159 = tpu.vector_load %arg5[%get3A_158] {strides = array<i32>} : memref<1024xi32, #tpu.memory_space<vmem>>, vector<16xi32>,
      %get3A_160 = vector.shape_cast %get3A_159 : vector<16xi32> to vector<16xi32>
      %shift_left3A_161 = arith.constant 10 : i32
      %shift_left3A_162 = arith.shli %scan3A_23, %shift_left3A_161 : i32
      %add3A_163 = arith.addi %shift_left3A_2, %shift_left3A_162 : i32
      %add3A_164 = arith.constant 64 : i32
      %add3A_165 = arith.addi %add3A_163, %add3A_164 : i32
      %add3A_166 = vector.broadcast %add3A_165 : i32 to vector<16xi32>
      %add3A_167 = arith.addi %add3A_166, %iota3A : vector<16xi32>
      %shift_right_arithmetic3A_168 = arith.constant 3 : i32
      %shift_right_arithmetic3A_169 = vector.broadcast %shift_right_arithmetic3A_168 : i32 to vector<16xi32>
      %shift_right_arithmetic3A_170 = arith.shrsi %get3A_160, %shift_right_arithmetic3A_169 : vector<16xi32>
      %shift_left3A_171 = arith.constant 17 : i32
      %shift_left3A_172 = vector.broadcast %shift_left3A_171 : i32 to vector<16xi32>
      %shift_left3A_173 = arith.shli %shift_right_arithmetic3A_170, %shift_left3A_172 : vector<16xi32>
      %and3A_174 = arith.constant 7 : i32
      %and3A_175 = vector.broadcast %and3A_174 : i32 to vector<16xi32>
      %and3A_176 = arith.andi %get3A_160, %and3A_175 : vector<16xi32>
      %shift_left3A_177 = arith.constant 7 : i32
      %shift_left3A_178 = vector.broadcast %shift_left3A_177 : i32 to vector<16xi32>
      %shift_left3A_179 = arith.shli %and3A_176, %shift_left3A_178 : vector<16xi32>
      %add3A_180 = arith.addi %shift_left3A_173, %shift_left3A_179 : vector<16xi32>
      %add3A_181 = arith.addi %add3A_180, %add3A_167 : vector<16xi32>
      %swap3A_182 = arith.index_cast %scan3A_23 : i32 to index
      %swap3A_183 = arith.constant 64 : index
      %swap3A_184 = tpu.vector_load %arg6[%swap3A_182, %swap3A_183] {strides = array<i32>} : memref<8x128xi32, #tpu.memory_space<vmem>>, vector<1x16xi32>,
      %swap3A_185 = vector.shape_cast %swap3A_184 : vector<1x16xi32> to vector<16xi32>
      %swap3A_186 = vector.shape_cast %add3A_181 : vector<16xi32> to vector<1x16xi32>
      tpu.vector_store %arg6[%swap3A_182, %swap3A_183], %swap3A_186 {strides = array<i32>} : memref<8x128xi32, #tpu.memory_space<vmem>>, vector<1x16xi32>,
      %mul3A_187 = arith.constant 128 : i32
      %mul3A_188 = arith.muli %scan3A_23, %mul3A_187 : i32
      %add3A_189 = arith.constant 80 : i32
      %add3A_190 = arith.addi %mul3A_188, %add3A_189 : i32
      %get3A_191 = arith.index_cast %add3A_190 : i32 to index
      %get3A_192 = tpu.vector_load %arg5[%get3A_191] {strides = array<i32>} : memref<1024xi32, #tpu.memory_space<vmem>>, vector<16xi32>,
      %get3A_193 = vector.shape_cast %get3A_192 : vector<16xi32> to vector<16xi32>
      %shift_left3A_194 = arith.constant 10 : i32
      %shift_left3A_195 = arith.shli %scan3A_23, %shift_left3A_194 : i32
      %add3A_196 = arith.addi %shift_left3A_2, %shift_left3A_195 : i32
      %add3A_197 = arith.constant 80 : i32
      %add3A_198 = arith.addi %add3A_196, %add3A_197 : i32
      %add3A_199 = vector.broadcast %add3A_198 : i32 to vector<16xi32>
      %add3A_200 = arith.addi %add3A_199, %iota3A : vector<16xi32>
      %shift_right_arithmetic3A_201 = arith.constant 3 : i32
      %shift_right_arithmetic3A_202 = vector.broadcast %shift_right_arithmetic3A_201 : i32 to vector<16xi32>
      %shift_right_arithmetic3A_203 = arith.shrsi %get3A_193, %shift_right_arithmetic3A_202 : vector<16xi32>
      %shift_left3A_204 = arith.constant 17 : i32
      %shift_left3A_205 = vector.broadcast %shift_left3A_204 : i32 to vector<16xi32>
      %shift_left3A_206 = arith.shli %shift_right_arithmetic3A_203, %shift_left3A_205 : vector<16xi32>
      %and3A_207 = arith.constant 7 : i32
      %and3A_208 = vector.broadcast %and3A_207 : i32 to vector<16xi32>
      %and3A_209 = arith.andi %get3A_193, %and3A_208 : vector<16xi32>
      %shift_left3A_210 = arith.constant 7 : i32
      %shift_left3A_211 = vector.broadcast %shift_left3A_210 : i32 to vector<16xi32>
      %shift_left3A_212 = arith.shli %and3A_209, %shift_left3A_211 : vector<16xi32>
      %add3A_213 = arith.addi %shift_left3A_206, %shift_left3A_212 : vector<16xi32>
      %add3A_214 = arith.addi %add3A_213, %add3A_200 : vector<16xi32>
      %swap3A_215 = arith.index_cast %scan3A_23 : i32 to index
      %swap3A_216 = arith.constant 80 : index
      %swap3A_217 = tpu.vector_load %arg6[%swap3A_215, %swap3A_216] {strides = array<i32>} : memref<8x128xi32, #tpu.memory_space<vmem>>, vector<1x16xi32>,
      %swap3A_218 = vector.shape_cast %swap3A_217 : vector<1x16xi32> to vector<16xi32>
      %swap3A_219 = vector.shape_cast %add3A_214 : vector<16xi32> to vector<1x16xi32>
      tpu.vector_store %arg6[%swap3A_215, %swap3A_216], %swap3A_219 {strides = array<i32>} : memref<8x128xi32, #tpu.memory_space<vmem>>, vector<1x16xi32>,
      %mul3A_220 = arith.constant 128 : i32
      %mul3A_221 = arith.muli %scan3A_23, %mul3A_220 : i32
      %add3A_222 = arith.constant 96 : i32
      %add3A_223 = arith.addi %mul3A_221, %add3A_222 : i32
      %get3A_224 = arith.index_cast %add3A_223 : i32 to index
      %get3A_225 = tpu.vector_load %arg5[%get3A_224] {strides = array<i32>} : memref<1024xi32, #tpu.memory_space<vmem>>, vector<16xi32>,
      %get3A_226 = vector.shape_cast %get3A_225 : vector<16xi32> to vector<16xi32>
      %shift_left3A_227 = arith.constant 10 : i32
      %shift_left3A_228 = arith.shli %scan3A_23, %shift_left3A_227 : i32
      %add3A_229 = arith.addi %shift_left3A_2, %shift_left3A_228 : i32
      %add3A_230 = arith.constant 96 : i32
      %add3A_231 = arith.addi %add3A_229, %add3A_230 : i32
      %add3A_232 = vector.broadcast %add3A_231 : i32 to vector<16xi32>
      %add3A_233 = arith.addi %add3A_232, %iota3A : vector<16xi32>
      %shift_right_arithmetic3A_234 = arith.constant 3 : i32
      %shift_right_arithmetic3A_235 = vector.broadcast %shift_right_arithmetic3A_234 : i32 to vector<16xi32>
      %shift_right_arithmetic3A_236 = arith.shrsi %get3A_226, %shift_right_arithmetic3A_235 : vector<16xi32>
      %shift_left3A_237 = arith.constant 17 : i32
      %shift_left3A_238 = vector.broadcast %shift_left3A_237 : i32 to vector<16xi32>
      %shift_left3A_239 = arith.shli %shift_right_arithmetic3A_236, %shift_left3A_238 : vector<16xi32>
      %and3A_240 = arith.constant 7 : i32
      %and3A_241 = vector.broadcast %and3A_240 : i32 to vector<16xi32>
      %and3A_242 = arith.andi %get3A_226, %and3A_241 : vector<16xi32>
      %shift_left3A_243 = arith.constant 7 : i32
      %shift_left3A_244 = vector.broadcast %shift_left3A_243 : i32 to vector<16xi32>
      %shift_left3A_245 = arith.shli %and3A_242, %shift_left3A_244 : vector<16xi32>
      %add3A_246 = arith.addi %shift_left3A_239, %shift_left3A_245 : vector<16xi32>
      %add3A_247 = arith.addi %add3A_246, %add3A_233 : vector<16xi32>
      %swap3A_248 = arith.index_cast %scan3A_23 : i32 to index
      %swap3A_249 = arith.constant 96 : index
      %swap3A_250 = tpu.vector_load %arg6[%swap3A_248, %swap3A_249] {strides = array<i32>} : memref<8x128xi32, #tpu.memory_space<vmem>>, vector<1x16xi32>,
      %swap3A_251 = vector.shape_cast %swap3A_250 : vector<1x16xi32> to vector<16xi32>
      %swap3A_252 = vector.shape_cast %add3A_247 : vector<16xi32> to vector<1x16xi32>
      tpu.vector_store %arg6[%swap3A_248, %swap3A_249], %swap3A_252 {strides = array<i32>} : memref<8x128xi32, #tpu.memory_space<vmem>>, vector<1x16xi32>,
      %mul3A_253 = arith.constant 128 : i32
      %mul3A_254 = arith.muli %scan3A_23, %mul3A_253 : i32
      %add3A_255 = arith.constant 112 : i32
      %add3A_256 = arith.addi %mul3A_254, %add3A_255 : i32
      %get3A_257 = arith.index_cast %add3A_256 : i32 to index
      %get3A_258 = tpu.vector_load %arg5[%get3A_257] {strides = array<i32>} : memref<1024xi32, #tpu.memory_space<vmem>>, vector<16xi32>,
      %get3A_259 = vector.shape_cast %get3A_258 : vector<16xi32> to vector<16xi32>
      %shift_left3A_260 = arith.constant 10 : i32
      %shift_left3A_261 = arith.shli %scan3A_23, %shift_left3A_260 : i32
      %add3A_262 = arith.addi %shift_left3A_2, %shift_left3A_261 : i32
      %add3A_263 = arith.constant 112 : i32
      %add3A_264 = arith.addi %add3A_262, %add3A_263 : i32
      %add3A_265 = vector.broadcast %add3A_264 : i32 to vector<16xi32>
      %add3A_266 = arith.addi %add3A_265, %iota3A : vector<16xi32>
      %shift_right_arithmetic3A_267 = arith.constant 3 : i32
      %shift_right_arithmetic3A_268 = vector.broadcast %shift_right_arithmetic3A_267 : i32 to vector<16xi32>
      %shift_right_arithmetic3A_269 = arith.shrsi %get3A_259, %shift_right_arithmetic3A_268 : vector<16xi32>
      %shift_left3A_270 = arith.constant 17 : i32
      %shift_left3A_271 = vector.broadcast %shift_left3A_270 : i32 to vector<16xi32>
      %shift_left3A_272 = arith.shli %shift_right_arithmetic3A_269, %shift_left3A_271 : vector<16xi32>
      %and3A_273 = arith.constant 7 : i32
      %and3A_274 = vector.broadcast %and3A_273 : i32 to vector<16xi32>
      %and3A_275 = arith.andi %get3A_259, %and3A_274 : vector<16xi32>
      %shift_left3A_276 = arith.constant 7 : i32
      %shift_left3A_277 = vector.broadcast %shift_left3A_276 : i32 to vector<16xi32>
      %shift_left3A_278 = arith.shli %and3A_275, %shift_left3A_277 : vector<16xi32>
      %add3A_279 = arith.addi %shift_left3A_272, %shift_left3A_278 : vector<16xi32>
      %add3A_280 = arith.addi %add3A_279, %add3A_266 : vector<16xi32>
      %swap3A_281 = arith.index_cast %scan3A_23 : i32 to index
      %swap3A_282 = arith.constant 112 : index
      %swap3A_283 = tpu.vector_load %arg6[%swap3A_281, %swap3A_282] {strides = array<i32>} : memref<8x128xi32, #tpu.memory_space<vmem>>, vector<1x16xi32>,
      %swap3A_284 = vector.shape_cast %swap3A_283 : vector<1x16xi32> to vector<16xi32>
      %swap3A_285 = vector.shape_cast %add3A_280 : vector<16xi32> to vector<1x16xi32>
      tpu.vector_store %arg6[%swap3A_281, %swap3A_282], %swap3A_285 {strides = array<i32>} : memref<8x128xi32, #tpu.memory_space<vmem>>, vector<1x16xi32>,
      %dma_start3A = arith.constant 0 : i32
      %dma_start3A_286 = tpu.memref_slice %arg7[%scan3A_23, %dma_start3A] : memref<8x128xf32, #tpu.memory_space<vmem>> -> memref<1x128xf32, #tpu.memory_space<vmem>>
      %dma_start3A_287 = tpu.memref_squeeze %dma_start3A_286 : memref<1x128xf32, #tpu.memory_space<vmem>> -> memref<128xf32, #tpu.memory_space<vmem>>
      %dma_start3A_288 = arith.constant 0 : i32
      %dma_start3A_289 = tpu.memref_slice %arg6[%scan3A_23, %dma_start3A_288] : memref<8x128xi32, #tpu.memory_space<vmem>> -> memref<1x128xi32, #tpu.memory_space<vmem>>
      %dma_start3A_290 = tpu.memref_squeeze %dma_start3A_289 : memref<1x128xi32, #tpu.memory_space<vmem>> -> memref<128xi32, #tpu.memory_space<vmem>>
      %dma_start3A_291 = arith.constant 0 : i32
      %dma_start3A_292 = tpu.memref_slice %arg2[%dma_start3A_291] : memref<16384000xf32, #tpu.memory_space<hbm>> -> memref<16384000xf32, #tpu.memory_space<hbm>>
      tpu.enqueue_indirect_dma source(%dma_start3A_292 : memref<16384000xf32, #tpu.memory_space<hbm>>) target(%dma_start3A_287 : memref<128xf32, #tpu.memory_space<vmem>>) offsets(%dma_start3A_290 : memref<128xi32, #tpu.memory_space<vmem>>) semaphore(%arg11 : memref<!tpu.dma_semaphore, #tpu.memory_space<semaphore_mem>>)
      %scan3A_293 = arith.constant 0 : i32
      scf.yield %scan3A_293 : i32
    }
    %scan3A_8 = arith.constant 8 : i32
    %broadcast_in_dim3A = arith.constant 0.000000e+00 : f32
    %broadcast_in_dim3A_9 = vector.broadcast %broadcast_in_dim3A : f32 to vector<16xf32>
    %scan3A_10 = arith.constant 0 : i32
    %scan3A_11 = arith.constant 8 : i32
    %scan3A_12 = arith.addi %scan3A_10, %scan3A_11 : i32
    %scan3A_13 = arith.constant 1 : i32
    %scan3A_14 = scf.for %scan3A_23 = %scan3A_10 to %scan3A_12 step %scan3A_13 iter_args(%scan3A_24 = %broadcast_in_dim3A_9) -> (vector<16xf32>)  : i32 {
      %dma_wait3A = arith.constant 0 : i32
      %dma_wait3A_25 = tpu.memref_slice %arg7[%scan3A_23, %dma_wait3A] : memref<8x128xf32, #tpu.memory_space<vmem>> -> memref<1x128xf32, #tpu.memory_space<vmem>>
      %dma_wait3A_26 = tpu.memref_squeeze %dma_wait3A_25 : memref<1x128xf32, #tpu.memory_space<vmem>> -> memref<128xf32, #tpu.memory_space<vmem>>
      %dma_wait3A_27 = arith.constant 0 : i32
      %dma_wait3A_28 = tpu.memref_slice %arg6[%scan3A_23, %dma_wait3A_27] : memref<8x128xi32, #tpu.memory_space<vmem>> -> memref<1x128xi32, #tpu.memory_space<vmem>>
      %dma_wait3A_29 = tpu.memref_squeeze %dma_wait3A_28 : memref<1x128xi32, #tpu.memory_space<vmem>> -> memref<128xi32, #tpu.memory_space<vmem>>
      %dma_wait3A_30 = arith.constant 0 : i32
      %dma_wait3A_31 = tpu.memref_slice %arg2[%dma_wait3A_30] : memref<16384000xf32, #tpu.memory_space<hbm>> -> memref<16384000xf32, #tpu.memory_space<hbm>>
      tpu.wait_indirect_dma semaphore(%arg11 : memref<!tpu.dma_semaphore, #tpu.memory_space<semaphore_mem>>) src(%dma_wait3A_31 : memref<16384000xf32, #tpu.memory_space<hbm>>) dst(%dma_wait3A_26 : memref<128xf32, #tpu.memory_space<vmem>>)
      %get3A = arith.index_cast %scan3A_23 : i32 to index
      %get3A_32 = arith.constant 0 : index
      %get3A_33 = tpu.vector_load %arg7[%get3A, %get3A_32] {strides = array<i32>} : memref<8x128xf32, #tpu.memory_space<vmem>>, vector<1x16xf32>,
      %get3A_34 = vector.shape_cast %get3A_33 : vector<1x16xf32> to vector<16xf32>
      %add3A = arith.addf %scan3A_24, %get3A_34 : vector<16xf32>
      %get3A_35 = arith.index_cast %scan3A_23 : i32 to index
      %get3A_36 = arith.constant 16 : index
      %get3A_37 = tpu.vector_load %arg7[%get3A_35, %get3A_36] {strides = array<i32>} : memref<8x128xf32, #tpu.memory_space<vmem>>, vector<1x16xf32>,
      %get3A_38 = vector.shape_cast %get3A_37 : vector<1x16xf32> to vector<16xf32>
      %add3A_39 = arith.addf %add3A, %get3A_38 : vector<16xf32>
      %get3A_40 = arith.index_cast %scan3A_23 : i32 to index
      %get3A_41 = arith.constant 32 : index
      %get3A_42 = tpu.vector_load %arg7[%get3A_40, %get3A_41] {strides = array<i32>} : memref<8x128xf32, #tpu.memory_space<vmem>>, vector<1x16xf32>,
      %get3A_43 = vector.shape_cast %get3A_42 : vector<1x16xf32> to vector<16xf32>
      %add3A_44 = arith.addf %add3A_39, %get3A_43 : vector<16xf32>
      %get3A_45 = arith.index_cast %scan3A_23 : i32 to index
      %get3A_46 = arith.constant 48 : index
      %get3A_47 = tpu.vector_load %arg7[%get3A_45, %get3A_46] {strides = array<i32>} : memref<8x128xf32, #tpu.memory_space<vmem>>, vector<1x16xf32>,
      %get3A_48 = vector.shape_cast %get3A_47 : vector<1x16xf32> to vector<16xf32>
      %add3A_49 = arith.addf %add3A_44, %get3A_48 : vector<16xf32>
      %get3A_50 = arith.index_cast %scan3A_23 : i32 to index
      %get3A_51 = arith.constant 64 : index
      %get3A_52 = tpu.vector_load %arg7[%get3A_50, %get3A_51] {strides = array<i32>} : memref<8x128xf32, #tpu.memory_space<vmem>>, vector<1x16xf32>,
      %get3A_53 = vector.shape_cast %get3A_52 : vector<1x16xf32> to vector<16xf32>
      %add3A_54 = arith.addf %add3A_49, %get3A_53 : vector<16xf32>
      %get3A_55 = arith.index_cast %scan3A_23 : i32 to index
      %get3A_56 = arith.constant 80 : index
      %get3A_57 = tpu.vector_load %arg7[%get3A_55, %get3A_56] {strides = array<i32>} : memref<8x128xf32, #tpu.memory_space<vmem>>, vector<1x16xf32>,
      %get3A_58 = vector.shape_cast %get3A_57 : vector<1x16xf32> to vector<16xf32>
      %add3A_59 = arith.addf %add3A_54, %get3A_58 : vector<16xf32>
      %get3A_60 = arith.index_cast %scan3A_23 : i32 to index
      %get3A_61 = arith.constant 96 : index
      %get3A_62 = tpu.vector_load %arg7[%get3A_60, %get3A_61] {strides = array<i32>} : memref<8x128xf32, #tpu.memory_space<vmem>>, vector<1x16xf32>,
      %get3A_63 = vector.shape_cast %get3A_62 : vector<1x16xf32> to vector<16xf32>
      %add3A_64 = arith.addf %add3A_59, %get3A_63 : vector<16xf32>
      %get3A_65 = arith.index_cast %scan3A_23 : i32 to index
      %get3A_66 = arith.constant 112 : index
      %get3A_67 = tpu.vector_load %arg7[%get3A_65, %get3A_66] {strides = array<i32>} : memref<8x128xf32, #tpu.memory_space<vmem>>, vector<1x16xf32>,
      %get3A_68 = vector.shape_cast %get3A_67 : vector<1x16xf32> to vector<16xf32>
      %add3A_69 = arith.addf %add3A_64, %get3A_68 : vector<16xf32>
      scf.yield %add3A_69 : vector<16xf32>
    }
    %scan3A_15 = arith.constant 8 : i32
    %swap3A = arith.constant 0 : index
    %swap3A_16 = tpu.vector_load %arg8[%swap3A] {strides = array<i32>} : memref<16xf32, #tpu.memory_space<vmem>>, vector<16xf32>,
    %swap3A_17 = vector.shape_cast %swap3A_16 : vector<16xf32> to vector<16xf32>
    %swap3A_18 = vector.shape_cast %scan3A_14 : vector<16xf32> to vector<16xf32>
    tpu.vector_store %arg8[%swap3A], %swap3A_18 {strides = array<i32>} : memref<16xf32, #tpu.memory_space<vmem>>, vector<16xf32>,
    %mul3A_19 = arith.constant 16 : i32
    %mul3A_20 = arith.muli %arg1, %mul3A_19 : i32
    "tpu.region"() ({
      %run_scoped3A = tpu.sem_alloc : memref<!tpu.dma_semaphore, #tpu.memory_space<semaphore_mem>>
      %dma_start3A = tpu.memref_slice %arg10[%mul3A_20] : memref<256xf32, #tpu.memory_space<vmem_shared>> -> memref<16xf32, #tpu.memory_space<vmem_shared>>
      %dma_start3A_23 = tpu.memref_slice %arg10[%mul3A_20] : memref<256xf32, #tpu.memory_space<vmem_shared>> -> memref<16xf32, #tpu.memory_space<vmem_shared>>
      tpu.enqueue_dma source(%arg8 : memref<16xf32, #tpu.memory_space<vmem>>) target(%dma_start3A_23 : memref<16xf32, #tpu.memory_space<vmem_shared>>) target_semaphore(%run_scoped3A : memref<!tpu.dma_semaphore, #tpu.memory_space<semaphore_mem>>)
      %dma_wait3A = tpu.memref_slice %arg10[%mul3A_20] : memref<256xf32, #tpu.memory_space<vmem_shared>> -> memref<16xf32, #tpu.memory_space<vmem_shared>>
      %dma_wait3A_24 = tpu.memref_slice %arg10[%mul3A_20] : memref<256xf32, #tpu.memory_space<vmem_shared>> -> memref<16xf32, #tpu.memory_space<vmem_shared>>
      tpu.wait_dma2 semaphore(%run_scoped3A : memref<!tpu.dma_semaphore, #tpu.memory_space<semaphore_mem>>) src(%arg8 : memref<16xf32, #tpu.memory_space<vmem>>) dst(%dma_wait3A_24 : memref<16xf32, #tpu.memory_space<vmem_shared>>)
      tpu.yield
    }) : () -> ()
    %barrier3A = arith.constant 0 : index
    tpu.barrier barrier_id(%barrier3A)
    %eq3A = arith.constant 0 : i32
    %eq3A_21 = arith.cmpi eq, %arg1, %eq3A : i32
    %convert_element_type3A = arith.extui %eq3A_21 : i1 to i32
    %cond3A = arith.constant 0 : i32
    %cond3A_22 = arith.cmpi ne, %convert_element_type3A, %cond3A : i32
    scf.if %cond3A_22 {
      "tpu.region"() ({
        %run_scoped3A = tpu.sem_alloc : memref<!tpu.dma_semaphore, #tpu.memory_space<semaphore_mem>>
        tpu.enqueue_dma source(%arg10 : memref<256xf32, #tpu.memory_space<vmem_shared>>) target(%arg9 : memref<256xf32, #tpu.memory_space<vmem>>) target_semaphore(%run_scoped3A : memref<!tpu.dma_semaphore, #tpu.memory_space<semaphore_mem>>)
        tpu.wait_dma2 semaphore(%run_scoped3A : memref<!tpu.dma_semaphore, #tpu.memory_space<semaphore_mem>>) src(%arg10 : memref<256xf32, #tpu.memory_space<vmem_shared>>) dst(%arg9 : memref<256xf32, #tpu.memory_space<vmem>>)
        tpu.yield
      }) : () -> ()
      %broadcast_in_dim3A_23 = arith.constant 0.000000e+00 : f32
      %broadcast_in_dim3A_24 = vector.broadcast %broadcast_in_dim3A_23 : f32 to vector<16xf32>
      %get3A = arith.constant 0 : index
      %get3A_25 = tpu.vector_load %arg9[%get3A] {strides = array<i32>} : memref<256xf32, #tpu.memory_space<vmem>>, vector<16xf32>,
      %get3A_26 = vector.shape_cast %get3A_25 : vector<16xf32> to vector<16xf32>
      %add3A = arith.addf %broadcast_in_dim3A_24, %get3A_26 : vector<16xf32>
      %get3A_27 = arith.constant 16 : index
      %get3A_28 = tpu.vector_load %arg9[%get3A_27] {strides = array<i32>} : memref<256xf32, #tpu.memory_space<vmem>>, vector<16xf32>,
      %get3A_29 = vector.shape_cast %get3A_28 : vector<16xf32> to vector<16xf32>
      %add3A_30 = arith.addf %add3A, %get3A_29 : vector<16xf32>
      %get3A_31 = arith.constant 32 : index
      %get3A_32 = tpu.vector_load %arg9[%get3A_31] {strides = array<i32>} : memref<256xf32, #tpu.memory_space<vmem>>, vector<16xf32>,
      %get3A_33 = vector.shape_cast %get3A_32 : vector<16xf32> to vector<16xf32>
      %add3A_34 = arith.addf %add3A_30, %get3A_33 : vector<16xf32>
      %get3A_35 = arith.constant 48 : index
      %get3A_36 = tpu.vector_load %arg9[%get3A_35] {strides = array<i32>} : memref<256xf32, #tpu.memory_space<vmem>>, vector<16xf32>,
      %get3A_37 = vector.shape_cast %get3A_36 : vector<16xf32> to vector<16xf32>
      %add3A_38 = arith.addf %add3A_34, %get3A_37 : vector<16xf32>
      %get3A_39 = arith.constant 64 : index
      %get3A_40 = tpu.vector_load %arg9[%get3A_39] {strides = array<i32>} : memref<256xf32, #tpu.memory_space<vmem>>, vector<16xf32>,
      %get3A_41 = vector.shape_cast %get3A_40 : vector<16xf32> to vector<16xf32>
      %add3A_42 = arith.addf %add3A_38, %get3A_41 : vector<16xf32>
      %get3A_43 = arith.constant 80 : index
      %get3A_44 = tpu.vector_load %arg9[%get3A_43] {strides = array<i32>} : memref<256xf32, #tpu.memory_space<vmem>>, vector<16xf32>,
      %get3A_45 = vector.shape_cast %get3A_44 : vector<16xf32> to vector<16xf32>
      %add3A_46 = arith.addf %add3A_42, %get3A_45 : vector<16xf32>
      %get3A_47 = arith.constant 96 : index
      %get3A_48 = tpu.vector_load %arg9[%get3A_47] {strides = array<i32>} : memref<256xf32, #tpu.memory_space<vmem>>, vector<16xf32>,
      %get3A_49 = vector.shape_cast %get3A_48 : vector<16xf32> to vector<16xf32>
      %add3A_50 = arith.addf %add3A_46, %get3A_49 : vector<16xf32>
      %get3A_51 = arith.constant 112 : index
      %get3A_52 = tpu.vector_load %arg9[%get3A_51] {strides = array<i32>} : memref<256xf32, #tpu.memory_space<vmem>>, vector<16xf32>,
      %get3A_53 = vector.shape_cast %get3A_52 : vector<16xf32> to vector<16xf32>
      %add3A_54 = arith.addf %add3A_50, %get3A_53 : vector<16xf32>
      %get3A_55 = arith.constant 128 : index
      %get3A_56 = tpu.vector_load %arg9[%get3A_55] {strides = array<i32>} : memref<256xf32, #tpu.memory_space<vmem>>, vector<16xf32>,
      %get3A_57 = vector.shape_cast %get3A_56 : vector<16xf32> to vector<16xf32>
      %add3A_58 = arith.addf %add3A_54, %get3A_57 : vector<16xf32>
      %get3A_59 = arith.constant 144 : index
      %get3A_60 = tpu.vector_load %arg9[%get3A_59] {strides = array<i32>} : memref<256xf32, #tpu.memory_space<vmem>>, vector<16xf32>,
      %get3A_61 = vector.shape_cast %get3A_60 : vector<16xf32> to vector<16xf32>
      %add3A_62 = arith.addf %add3A_58, %get3A_61 : vector<16xf32>
      %get3A_63 = arith.constant 160 : index
      %get3A_64 = tpu.vector_load %arg9[%get3A_63] {strides = array<i32>} : memref<256xf32, #tpu.memory_space<vmem>>, vector<16xf32>,
      %get3A_65 = vector.shape_cast %get3A_64 : vector<16xf32> to vector<16xf32>
      %add3A_66 = arith.addf %add3A_62, %get3A_65 : vector<16xf32>
      %get3A_67 = arith.constant 176 : index
      %get3A_68 = tpu.vector_load %arg9[%get3A_67] {strides = array<i32>} : memref<256xf32, #tpu.memory_space<vmem>>, vector<16xf32>,
      %get3A_69 = vector.shape_cast %get3A_68 : vector<16xf32> to vector<16xf32>
      %add3A_70 = arith.addf %add3A_66, %get3A_69 : vector<16xf32>
      %get3A_71 = arith.constant 192 : index
      %get3A_72 = tpu.vector_load %arg9[%get3A_71] {strides = array<i32>} : memref<256xf32, #tpu.memory_space<vmem>>, vector<16xf32>,
      %get3A_73 = vector.shape_cast %get3A_72 : vector<16xf32> to vector<16xf32>
      %add3A_74 = arith.addf %add3A_70, %get3A_73 : vector<16xf32>
      %get3A_75 = arith.constant 208 : index
      %get3A_76 = tpu.vector_load %arg9[%get3A_75] {strides = array<i32>} : memref<256xf32, #tpu.memory_space<vmem>>, vector<16xf32>,
      %get3A_77 = vector.shape_cast %get3A_76 : vector<16xf32> to vector<16xf32>
      %add3A_78 = arith.addf %add3A_74, %get3A_77 : vector<16xf32>
      %get3A_79 = arith.constant 224 : index
      %get3A_80 = tpu.vector_load %arg9[%get3A_79] {strides = array<i32>} : memref<256xf32, #tpu.memory_space<vmem>>, vector<16xf32>,
      %get3A_81 = vector.shape_cast %get3A_80 : vector<16xf32> to vector<16xf32>
      %add3A_82 = arith.addf %add3A_78, %get3A_81 : vector<16xf32>
      %get3A_83 = arith.constant 240 : index
      %get3A_84 = tpu.vector_load %arg9[%get3A_83] {strides = array<i32>} : memref<256xf32, #tpu.memory_space<vmem>>, vector<16xf32>,
      %get3A_85 = vector.shape_cast %get3A_84 : vector<16xf32> to vector<16xf32>
      %add3A_86 = arith.addf %add3A_82, %get3A_85 : vector<16xf32>
      %slice3A = vector.extract_strided_slice %add3A_86 {offsets = [0], sizes = [1], strides = [1]} : vector<16xf32> to vector<1xf32>
      %squeeze3A = vector.extract %slice3A[0] : f32 from vector<1xf32>
      %slice3A_87 = vector.extract_strided_slice %add3A_86 {offsets = [1], sizes = [1], strides = [1]} : vector<16xf32> to vector<1xf32>
      %squeeze3A_88 = vector.extract %slice3A_87[0] : f32 from vector<1xf32>
      %add3A_89 = arith.addf %squeeze3A, %squeeze3A_88 : f32
      %slice3A_90 = vector.extract_strided_slice %add3A_86 {offsets = [2], sizes = [1], strides = [1]} : vector<16xf32> to vector<1xf32>
      %squeeze3A_91 = vector.extract %slice3A_90[0] : f32 from vector<1xf32>
      %add3A_92 = arith.addf %add3A_89, %squeeze3A_91 : f32
      %slice3A_93 = vector.extract_strided_slice %add3A_86 {offsets = [3], sizes = [1], strides = [1]} : vector<16xf32> to vector<1xf32>
      %squeeze3A_94 = vector.extract %slice3A_93[0] : f32 from vector<1xf32>
      %add3A_95 = arith.addf %add3A_92, %squeeze3A_94 : f32
      %slice3A_96 = vector.extract_strided_slice %add3A_86 {offsets = [4], sizes = [1], strides = [1]} : vector<16xf32> to vector<1xf32>
      %squeeze3A_97 = vector.extract %slice3A_96[0] : f32 from vector<1xf32>
      %add3A_98 = arith.addf %add3A_95, %squeeze3A_97 : f32
      %slice3A_99 = vector.extract_strided_slice %add3A_86 {offsets = [5], sizes = [1], strides = [1]} : vector<16xf32> to vector<1xf32>
      %squeeze3A_100 = vector.extract %slice3A_99[0] : f32 from vector<1xf32>
      %add3A_101 = arith.addf %add3A_98, %squeeze3A_100 : f32
      %slice3A_102 = vector.extract_strided_slice %add3A_86 {offsets = [6], sizes = [1], strides = [1]} : vector<16xf32> to vector<1xf32>
      %squeeze3A_103 = vector.extract %slice3A_102[0] : f32 from vector<1xf32>
      %add3A_104 = arith.addf %add3A_101, %squeeze3A_103 : f32
      %slice3A_105 = vector.extract_strided_slice %add3A_86 {offsets = [7], sizes = [1], strides = [1]} : vector<16xf32> to vector<1xf32>
      %squeeze3A_106 = vector.extract %slice3A_105[0] : f32 from vector<1xf32>
      %add3A_107 = arith.addf %add3A_104, %squeeze3A_106 : f32
      %slice3A_108 = vector.extract_strided_slice %add3A_86 {offsets = [8], sizes = [1], strides = [1]} : vector<16xf32> to vector<1xf32>
      %squeeze3A_109 = vector.extract %slice3A_108[0] : f32 from vector<1xf32>
      %add3A_110 = arith.addf %add3A_107, %squeeze3A_109 : f32
      %slice3A_111 = vector.extract_strided_slice %add3A_86 {offsets = [9], sizes = [1], strides = [1]} : vector<16xf32> to vector<1xf32>
      %squeeze3A_112 = vector.extract %slice3A_111[0] : f32 from vector<1xf32>
      %add3A_113 = arith.addf %add3A_110, %squeeze3A_112 : f32
      %slice3A_114 = vector.extract_strided_slice %add3A_86 {offsets = [10], sizes = [1], strides = [1]} : vector<16xf32> to vector<1xf32>
      %squeeze3A_115 = vector.extract %slice3A_114[0] : f32 from vector<1xf32>
      %add3A_116 = arith.addf %add3A_113, %squeeze3A_115 : f32
      %slice3A_117 = vector.extract_strided_slice %add3A_86 {offsets = [11], sizes = [1], strides = [1]} : vector<16xf32> to vector<1xf32>
      %squeeze3A_118 = vector.extract %slice3A_117[0] : f32 from vector<1xf32>
      %add3A_119 = arith.addf %add3A_116, %squeeze3A_118 : f32
      %slice3A_120 = vector.extract_strided_slice %add3A_86 {offsets = [12], sizes = [1], strides = [1]} : vector<16xf32> to vector<1xf32>
      %squeeze3A_121 = vector.extract %slice3A_120[0] : f32 from vector<1xf32>
      %add3A_122 = arith.addf %add3A_119, %squeeze3A_121 : f32
      %slice3A_123 = vector.extract_strided_slice %add3A_86 {offsets = [13], sizes = [1], strides = [1]} : vector<16xf32> to vector<1xf32>
      %squeeze3A_124 = vector.extract %slice3A_123[0] : f32 from vector<1xf32>
      %add3A_125 = arith.addf %add3A_122, %squeeze3A_124 : f32
      %slice3A_126 = vector.extract_strided_slice %add3A_86 {offsets = [14], sizes = [1], strides = [1]} : vector<16xf32> to vector<1xf32>
      %squeeze3A_127 = vector.extract %slice3A_126[0] : f32 from vector<1xf32>
      %add3A_128 = arith.addf %add3A_125, %squeeze3A_127 : f32
      %slice3A_129 = vector.extract_strided_slice %add3A_86 {offsets = [15], sizes = [1], strides = [1]} : vector<16xf32> to vector<1xf32>
      %squeeze3A_130 = vector.extract %slice3A_129[0] : f32 from vector<1xf32>
      %add3A_131 = arith.addf %add3A_128, %squeeze3A_130 : f32
      %mul3A_132 = arith.constant 1.90734863E-6 : f32
      %mul3A_133 = arith.mulf %mul3A_132, %add3A_131 : f32
      %sub3A = arith.constant 2.000000e+00 : f32
      %sub3A_134 = arith.subf %sub3A, %mul3A_133 : f32
      %broadcast_in_dim3A_135 = vector.broadcast %sub3A_134 : f32 to vector<16xf32>
      %swap3A_136 = arith.constant 0 : index
      %swap3A_137 = tpu.vector_load %arg8[%swap3A_136] {strides = array<i32>} : memref<16xf32, #tpu.memory_space<vmem>>, vector<16xf32>,
      %swap3A_138 = vector.shape_cast %swap3A_137 : vector<16xf32> to vector<16xf32>
      %swap3A_139 = vector.shape_cast %broadcast_in_dim3A_135 : vector<16xf32> to vector<16xf32>
      tpu.vector_store %arg8[%swap3A_136], %swap3A_139 {strides = array<i32>} : memref<16xf32, #tpu.memory_space<vmem>>, vector<16xf32>,
      "tpu.region"() ({
        %run_scoped3A = tpu.sem_alloc : memref<!tpu.dma_semaphore, #tpu.memory_space<semaphore_mem>>
        tpu.enqueue_dma source(%arg8 : memref<16xf32, #tpu.memory_space<vmem>>) target(%arg4 : memref<16xf32, #tpu.memory_space<hbm>>) target_semaphore(%run_scoped3A : memref<!tpu.dma_semaphore, #tpu.memory_space<semaphore_mem>>)
        tpu.wait_dma2 semaphore(%run_scoped3A : memref<!tpu.dma_semaphore, #tpu.memory_space<semaphore_mem>>) src(%arg8 : memref<16xf32, #tpu.memory_space<vmem>>) dst(%arg4 : memref<16xf32, #tpu.memory_space<hbm>>)
        tpu.yield
      }) : () -> ()
    } else {
    }
    return
  }
}

</mosaic_0001>

<sc_bundles>
// kernel: kernel.3.cloned.1.call-start
scs
__scs_entry_jumppad:
0x0: {  	(pc) =	sbr.rel $0x88, $3  }
0x1: {  	(tag) =	ssettag $0x0;
	lr =	simm.s32 $0x1  }
0x2: {  	[smem:$0x3F9F] =	sst lr;
	_ =	strace $0xD0000000  }
0x3: {  	_ = 	snop  }
0x4: {  	_ = 	snop  }
0x5: {  	_ = 	snop  }
0x6: {  	_ = 	snop  }
0x7: {  	_ = 	snop  }
__scs_overlays_trampoline_lowered:
0x8: {  	[smem:$0x3FAE] =	sst s0  }
0x9: {  	[smem:$0x3FAF] =	sst s1  }
0xa: {  	[smem:$0x3FB0] =	sst s2  }
0xb: {  	[smem:$0x3FB1] =	sst s3  }
0xc: {  	[smem:$0x3FB2] =	sst s4  }
0xd: {  	[smem:$0x3FB3] =	sst s5  }
0xe: {  	[smem:$0x3FB4] =	sst s6  }
0xf: {  	[smem:$0x3FB5] =	sst s7  }
0x10: {  	[smem:$0x3FB6] =	sst s8  }
0x11: {  	[smem:$0x3FB7] =	sst s9;
	s0 =	simm.s32 @!p0 $0x0  }
0x12: {  	s1 =	sld [smem:$0x3F9D];
	s0 =	simm.s32 @p0 $0x1  }
0x13: {  	[smem:$0x3FB8] =	sst s0;
	s0 =	simm.s32 @!p1 $0x0  }
0x14: {  	s2 =	sld [smem:$0x3F9C];
	s0 =	simm.s32 @p1 $0x1  }
0x15: {  	[smem:$0x3FB9] =	sst s0;
	s0 =	simm.s32 @!p2 $0x0  }
0x16: {  	s3 =	sld [smem:$0x3FDB];
	s0 =	simm.s32 @p2 $0x1  }
0x17: {  	s4 =	simm.s32 $0x1BF5;
	[smem:$0x3FBB] =	sst s0  }
0x18: {  	s0 =	sld [smem:$0x3F9E];
	_ =	swait.ge [sflag:s4], $0x0  }
0x19: {  	s7 =	sld [smem:$0x3F9F]  }
0x1a: {  	s8 =	sadd.s32 $0xFFFFE003, lr  }
0x1b: {  	s9 =	sadd.s32 $0xFFFFFEF7, lr;
	s5 =	simm.s32 $0xFFFFFFFF;
	p2 =	slt.u32 s8, $0xFFFFF086  }
0x1c: {  	p1 =	slt.u32 s9, $0xF7A;
	s5 =	simm.s32 @!p2 $0x0  }
0x1d: {  	s5 =	simm.s32 @p1 $0x1;
	p0 =	seq.s32 s7, s2  }
0x1e: {  	s7 =	smul.u32 @!p0 $0xF7A, s2;
	p2 =	seq.s32 @!p0 s5, $0x0  }
0x1f: {  	s9 =	smul.u32 $0xF7A, s1;
	s8 =	simm.s32 @!p0 $0x1BF5;
	p2 =	por !p2, p0  }
0x20: {  	[sflag:s8] =	ssyncset.s32 @!p0 $0xFFFFF086;
	s6 =	sadd.s32 @!p0 s3, s7;
	s7 =	simm.s32 @!p0 $0x108  }
0x21: {  	s3 =	sadd.s32 s3, s9;
	s6 =	sadd.s32 @!p0 $0x88, s6;
	s7 =	simm.s32 @p2 $0x1082  }
0x22: {  	[simem:s7], [sflag:s8] =	dma.local @!p0 [hbm:s6], $0xF7A  }
0x23: {  	s9 =	sor.u32 $0xD0000000, s2;
	s6 =	simm.s32 $0x108;
	_ =	swait.ge @!p0 [sflag:s8], $0x0  }
0x24: {  	s3 =	sadd.s32 $0x88, s3;
	s6 =	simm.s32 @!p1 $0x1082;
	[sflag:s4] =	ssyncset.s32 $0xFFFFF086  }
0x25: {  	[simem:s6], [sflag:s4] =	dma.local [hbm:s3], $0xF7A  }
0x26: {  	[smem:$0x3F9F] =	sst s1;
	(tag) =	ssettag s2;
	_ =	strace s9  }
0x27: {  	s1 =	sld [smem:$0x3FAF]  }
0x28: {  	s2 =	sld [smem:$0x3FB0]  }
0x29: {  	s4 =	sld [smem:$0x3FB2]  }
0x2a: {  	p0 =	seq.s32 s5, $0x0;
	s5 =	sld [smem:$0x3FB3]  }
0x2b: {  	s6 =	sld [smem:$0x3FB4]  }
0x2c: {  	s7 =	sld [smem:$0x3FB5]  }
0x2d: {  	s3 =	simm.s32 $0x108;
	s8 =	sld [smem:$0x3FB6]  }
0x2e: {  	s3 =	simm.s32 @!p0 $0x1082;
	s9 =	sld [smem:$0x3FB7]  }
0x2f: {  	lr =	sadd.s32 s0, s3;
	s0 =	sld [smem:$0x3FAE]  }
0x30: {  	s3 =	sld [smem:$0x3FB1]  }
0x31: {  	[smem:$0x3FBA] =	sst s10  }
0x32: {  	s10 =	sld [smem:$0x3FB8];
	_ =	sdelay $0x3  }
0x33: {  	p0 =	seq.s32 s10, $0x1;
	s10 =	sld [smem:$0x3FBA];
	_ =	sdelay $0x3  }
0x34: {  	[smem:$0x3FBA] =	sst s10  }
0x35: {  	s10 =	sld [smem:$0x3FB9];
	_ =	sdelay $0x3  }
0x36: {  	p1 =	seq.s32 s10, $0x1;
	s10 =	sld [smem:$0x3FBA];
	_ =	sdelay $0x3  }
0x37: {  	[smem:$0x3FBA] =	sst s10  }
0x38: {  	s10 =	sld [smem:$0x3FBB]  }
0x39: {  	_ = 	snop;
	(pc) =	sbr.ind lr, $3  }
0x3a: {  	_ = 	snop  }
0x3b: {  	_ = 	snop  }
0x3c: {  	p2 =	seq.s32 s10, $0x1;
	s10 =	sld [smem:$0x3FBA]  }
0x3d: {  	_ =	shalt  }
0x3e: {  	_ =	shalt  }
0x3f: {  	_ =	shalt  }
0x40: {  	_ =	shalt  }
0x41: {  	_ =	shalt  }
0x42: {  	_ =	shalt  }
0x43: {  	_ =	shalt  }
0x44: {  	_ =	shalt  }
0x45: {  	_ =	shalt  }
0x46: {  	_ =	shalt  }
0x47: {  	_ =	shalt  }
0x48: {  	_ =	shalt  }
0x49: {  	_ =	shalt  }
0x4a: {  	_ =	shalt  }
0x4b: {  	_ =	shalt  }
0x4c: {  	_ =	shalt  }
0x4d: {  	_ =	shalt  }
0x4e: {  	_ =	shalt  }
0x4f: {  	_ =	shalt  }
0x50: {  	_ =	shalt  }
0x51: {  	_ =	shalt  }
0x52: {  	_ =	shalt  }
0x53: {  	_ =	shalt  }
0x54: {  	_ =	shalt  }
0x55: {  	_ =	shalt  }
0x56: {  	_ =	shalt  }
0x57: {  	_ =	shalt  }
0x58: {  	_ =	shalt  }
0x59: {  	_ =	shalt  }
0x5a: {  	_ =	shalt  }
0x5b: {  	_ =	shalt  }
0x5c: {  	_ =	shalt  }
0x5d: {  	_ =	shalt  }
0x5e: {  	_ =	shalt  }
0x5f: {  	_ =	shalt  }
0x60: {  	_ =	shalt  }
0x61: {  	_ =	shalt  }
0x62: {  	_ =	shalt  }
0x63: {  	_ =	shalt  }
0x64: {  	_ =	shalt  }
0x65: {  	_ =	shalt  }
0x66: {  	_ =	shalt  }
0x67: {  	_ =	shalt  }
0x68: {  	_ =	shalt  }
0x69: {  	_ =	shalt  }
0x6a: {  	_ =	shalt  }
0x6b: {  	_ =	shalt  }
0x6c: {  	_ =	shalt  }
0x6d: {  	_ =	shalt  }
0x6e: {  	_ =	shalt  }
0x6f: {  	_ =	shalt  }
0x70: {  	_ =	shalt  }
0x71: {  	_ =	shalt  }
0x72: {  	_ =	shalt  }
0x73: {  	_ =	shalt  }
0x74: {  	_ =	shalt  }
0x75: {  	_ =	shalt  }
0x76: {  	_ =	shalt  }
0x77: {  	_ =	shalt  }
0x78: {  	_ =	shalt  }
0x79: {  	_ =	shalt  }
0x7a: {  	_ =	shalt  }
0x7b: {  	_ =	shalt  }
0x7c: {  	_ =	shalt  }
0x7d: {  	_ =	shalt  }
0x7e: {  	_ =	shalt  }
0x7f: {  	_ =	shalt  }
0x80: {  	_ =	shalt  }
0x81: {  	_ =	shalt  }
0x82: {  	_ =	shalt  }
0x83: {  	_ =	shalt  }
0x84: {  	_ =	shalt  }
0x85: {  	_ =	shalt  }
0x86: {  	_ =	shalt  }
0x87: {  	_ =	shalt  }
.Lfunc_end0:
.L_simem_size_0:
called_computation_lowered:
.L_overlay_start_0:
0x88: {  	s0 =	sld [smem:$0x3FD9]  }
0x89: {  	s1 =	sld [smem:$0x3FFE];
	_ =	sdelay $0x3  }
0x8a: {  	s0 =	sadd.s32 s1, s0  }
0x8b: {  	[smem:$0x3FC6] =	sst s0  }
0x8c: {  	_ = 	snop  }
0x8d: {  	s0 =	sld [smem:$0x3FC9]  }
0x8e: {  	s17 =	sld [smem:$0x3FC8]  }
0x8f: {  	s2 =	sld [smem:$0x3FD0];
	(tm) =	ssettm $0x1  }
0x90: {  	s3 =	sld [smem:$0x3FFB];
	_ =	sdelay $0x3  }
0x91: {  	_ =	strace s3  }
0x92: {  	s3 =	sld [smem:$0x3FFC];
	_ =	sdelay $0x3  }
0x93: {  	_ =	strace s3  }
0x94: {  	s3 =	sld [smem:$0x3FFD];
	_ =	sdelay $0x3  }
0x95: {  	_ =	strace s3  }
0x96: {  	_ =	strace $0x8FFFFFFF  }
0x97: {  	s18 =	sld [smem:$0x3FDB];
	_ =	sdelay $0x1  }
0x98: {  	s4 =	simm.s32 $_scs_section_size  }
0x99: {  	s5 =	simm.s32 $_size__tile_overlayer_lowered;
	s6 =	simm.s32 $_tile_overlayer_lowered  }
0x9a: {  	s21 =	simm.s32 $0x1BFF;
	s20 =	sshll.u32 s6, $0x1;
	s3 =	sadd.s32 s4, s18  }
0x9b: {  	s7 =	simm.s32 $0x0;
	s19 =	sshll.u32 s5, $0x1;
	s5 =	sadd.s32 s20, s3  }
0x9c: {  	[timem:s7], [sflag:s21] =	dma.local [hbm:s5], s19  }
0x9d: {  	_ =	swait.ge [sflag:s21], s19  }
0x9e: {  	s4 =	ssub.s32 $0x0, s19;
	[sflag:s21] =	ssyncset.done $0x0  }
0x9f: {  	[sflag:s21] =	ssyncadd.s32 s4;
	_ =	sdelay $0x1  }
0xa0: {  	s22 =	simm.s32 $0x1B8B  }
0xa1: {  	_ =	swait.ge [sflag:s22], $0x1  }
0xa2: {  	[sflag:s22] =	ssyncset.done $0x0  }
0xa3: {  	s23 =	simm.s32 $0x1B8E;
	[sflag:s22] =	ssyncadd.s32 $0xFFFFFFFF  }
0xa4: {  	s24 =	simm.s32 $execute0_lowered;
	[smem:$0x3FD2] =	sst s23  }
0xa5: {  	s4 =	sshll.u32 s24, $0x1;
	_ =	strace $0x80000046;
	[dreg:$0x1] =	wrdreg $0xFFFFFFFF  }
0xa6: {  	s25 =	simm.s32 $_size_execute0_lowered;
	s3 =	sadd.s32 s3, s4;
	[dreg:$0x0] =	wrdreg $0x0  }
0xa7: {  	s4 =	sshll.u32 s25, $0x1;
	[dreg:$0x2] =	wrdreg s3  }
0xa8: {  	[dreg:$0x3] =	wrdreg s4  }
0xa9: {  	[dreg:$0x4] =	wrdreg $0xC0  }
0xaa: {  	_ =	task [dreg:s7], $0x5FFFF  }
0xab: {  	[dreg:$0x1] =	wrdreg $0xFFFFFFFF  }
0xac: {  	[dreg:$0x0] =	wrdreg $0x60  }
0xad: {  	[dreg:$0x2] =	wrdreg s0  }
0xae: {  	[dreg:$0x3] =	wrdreg s17  }
0xaf: {  	[dreg:$0x4] =	wrdreg s2  }
0xb0: {  	[dreg:$0x5] =	wrdreg $0xD800  }
0xb1: {  	[dreg:$0x6] =	wrdreg $0x9  }
0xb2: {  	_ =	task.clear_ibuf [dreg:s7], $0x7FFFF;
	_ =	strace $0x90000046  }
0xb3: {  	s26 =	simm.s32 $0x9;
	_ =	strace $0x80000048  }
0xb4: {  	_ =	swait.ge [sflag:s26], $0x1  }
0xb5: {  	[sflag:s26] =	ssyncadd.s32 $0xFFFFFFFF  }
0xb6: {  	_ =	strace $0x90000048  }
0xb7: {  	_ =	sfence  }
0xb8: {  	s28 =	sld [smem:$0x0];
	_ =	sdelay $0x1  }
0xb9: {  	s29 =	srdreg.scid  }
0xba: {  	s30 =	sshll.u32 s29, $0xD;
	s31 =	sshrl.u32 s29, $0x2  }
0xbb: {  	s1 =	sand.u32 $0x1, s29;
	s2 =	sand.u32 $0x4000, s30;
	s0 =	sadd.s32 s31, s28  }
0xbc: {  	s1 =	sor.u32 s2, s1;
	s0 =	sshll.u32 s0, $0x11  }
0xbd: {  	s0 =	sor.u32 s0, s1  }
0xbe: {  	s0 =	sadd.s32 $0x8F2B, s0  }
0xbf: {  	[sflag:s0] =	ssyncadd.remote.s32 $0x1  }
0xc0: {  	_ =	sfence.sel $0xFFFF  }
0xc1: {  	[dreg:$0x0] =	wrdreg $0xFFFFFFFF;
	(pc) =	sbr.abs _section_cstart, $3  }
0xc2: {  	[dreg:$0x1] =	wrdreg $0xFFFFFFFF  }
0xc3: {  	_ =	task.clear_ibuf [dreg:s7], $0x2FFFF;
	_ =	strace $0x9FFFFFFF  }
0xc4: {  	(tm) =	ssettm $0x7FFFFFFF  }
0xc5: {  	_ =	shalt  }
tec
execute0_lowered:
.L_overlay_start_1:
0x0: {  	(tag) =	ssettag $0x1  }
0x1: {  	s4 =	rddreg [dreg:$0x0]  }
0x2: {  	s5 =	rddreg [dreg:$0x1]  }
0x3: {  	s1 =	rddreg [dreg:$0x2]  }
0x4: {  	s2 =	rddreg [dreg:$0x3]  }
0x5: {  	s0 =	rddreg [dreg:$0x4];
	s6 =	simm.s32 $0x0;
	s3 =	stileid.u32  }
0x6: {  	[smem:$0x7FF] =	sst s6;
	s7 =	sshll.u32 s3, $0x7  }
0x7: {  	s23 =	simm.s32 $0x2;
	_ =	strace $0x80000047;
	s5 =	sadd.s32 s5, s7  }
0x8: {  	[tilespmem:s6], [sflag:$0x2] =	stream.linear.gather [hbm4b:s5+s6], $0x400, $0x38;
	[tilespmem:$0xD90] =	vst v63  }
0x9: {  	_ =	swait.ge [sflag:s23], $0x400  }
0xa: {  	[sflag:s23] =	ssyncset.done $0x0  }
0xb: {  	s24 =	simm.s32 $0x40;
	[sflag:s23] =	ssyncadd.s32 $0xFFFFFC00  }
0xc: {  	v0 =	vld [tilespmem:s24+$0xFFFFFFC0];
	_ =	sdelay $0x4  }
0xd: {  	s5 =	sshll.u32 s3, $0xD;
	v1 =	vshll.u32 v0, $0x7  }
0xe: {  	s8 =	sadd.s32 $0x0, s5;
	v0 =	vshll.u32 v0, $0xE;
	v1 =	vand.u32 $0x380, v1  }
0xf: {  	v2 =	vand.u32 $0xFFFE0000, v0;
	v1 =	vor.u32 s8, v1  }
0x10: {  	v0 =	vlaneseq.u32;
	v1 =	vor.u32 v2, v1  }
0x11: {  	s6 =	simm.s32 $0x400;
	v1 =	vor.u32 v0, v1  }
0x12: {  	[tilespmem:s6+$0x0] =	vst v1  }
0x13: {  	v1 =	vld [tilespmem:s24+$0xFFFFFFD0];
	_ =	sdelay $0x4  }
0x14: {  	v2 =	vshll.u32 v1, $0x7  }
0x15: {  	s9 =	sadd.s32 $0x10, s8;
	v1 =	vshll.u32 v1, $0xE;
	v2 =	vand.u32 $0x380, v2  }
0x16: {  	v1 =	vand.u32 $0xFFFE0000, v1;
	v2 =	vor.u32 s9, v2  }
0x17: {  	v1 =	vor.u32 v1, v2  }
0x18: {  	v1 =	vor.u32 v0, v1  }
0x19: {  	[tilespmem:s6+$0x10] =	vst v1  }
0x1a: {  	v1 =	vld [tilespmem:s24+$0xFFFFFFE0];
	_ =	sdelay $0x4  }
0x1b: {  	v2 =	vshll.u32 v1, $0x7  }
0x1c: {  	s25 =	sadd.s32 $0x20, s8;
	v1 =	vshll.u32 v1, $0xE;
	v2 =	vand.u32 $0x380, v2  }
0x1d: {  	v1 =	vand.u32 $0xFFFE0000, v1;
	v2 =	vor.u32 s25, v2  }
0x1e: {  	v1 =	vor.u32 v1, v2  }
0x1f: {  	v1 =	vor.u32 v0, v1  }
0x20: {  	[tilespmem:s6+$0x20] =	vst v1  }
0x21: {  	v1 =	vld [tilespmem:s24+$0xFFFFFFF0];
	_ =	sdelay $0x4  }
0x22: {  	v2 =	vshll.u32 v1, $0x7  }
0x23: {  	s26 =	sadd.s32 $0x30, s8;
	v1 =	vshll.u32 v1, $0xE;
	v2 =	vand.u32 $0x380, v2  }
0x24: {  	v1 =	vand.u32 $0xFFFE0000, v1;
	v2 =	vor.u32 s26, v2  }
0x25: {  	v1 =	vor.u32 v1, v2  }
0x26: {  	v1 =	vor.u32 v0, v1  }
0x27: {  	[tilespmem:s6+$0x30] =	vst v1  }
0x28: {  	v1 =	vld [tilespmem:s24+$0x0];
	_ =	sdelay $0x4  }
0x29: {  	v2 =	vshll.u32 v1, $0x7  }
0x2a: {  	s28 =	sadd.s32 $0x40, s8;
	v1 =	vshll.u32 v1, $0xE;
	v2 =	vand.u32 $0x380, v2  }
0x2b: {  	v1 =	vand.u32 $0xFFFE0000, v1;
	v2 =	vor.u32 s28, v2  }
0x2c: {  	v1 =	vor.u32 v1, v2  }
0x2d: {  	v1 =	vor.u32 v0, v1  }
0x2e: {  	[tilespmem:s6+$0x40] =	vst v1  }
0x2f: {  	v1 =	vld [tilespmem:s24+$0x10];
	_ =	sdelay $0x4  }
0x30: {  	v2 =	vshll.u32 v1, $0x7  }
0x31: {  	s29 =	sadd.s32 $0x50, s8;
	v1 =	vshll.u32 v1, $0xE;
	v2 =	vand.u32 $0x380, v2  }
0x32: {  	v1 =	vand.u32 $0xFFFE0000, v1;
	v2 =	vor.u32 s29, v2  }
0x33: {  	v1 =	vor.u32 v1, v2  }
0x34: {  	v1 =	vor.u32 v0, v1  }
0x35: {  	[tilespmem:s6+$0x50] =	vst v1  }
0x36: {  	v1 =	vld [tilespmem:s24+$0x20];
	_ =	sdelay $0x4  }
0x37: {  	v2 =	vshll.u32 v1, $0x7  }
0x38: {  	s30 =	sadd.s32 $0x60, s8;
	v1 =	vshll.u32 v1, $0xE;
	v2 =	vand.u32 $0x380, v2  }
0x39: {  	v1 =	vand.u32 $0xFFFE0000, v1;
	v2 =	vor.u32 s30, v2  }
0x3a: {  	v1 =	vor.u32 v1, v2  }
0x3b: {  	v1 =	vor.u32 v0, v1  }
0x3c: {  	[tilespmem:s6+$0x60] =	vst v1  }
0x3d: {  	v1 =	vld [tilespmem:s24+$0x30];
	_ =	sdelay $0x4  }
0x3e: {  	v2 =	vshll.u32 v1, $0x7  }
0x3f: {  	s31 =	sadd.s32 $0x70, s8;
	v1 =	vshll.u32 v1, $0xE;
	v2 =	vand.u32 $0x380, v2  }
0x40: {  	v1 =	vand.u32 $0xFFFE0000, v1;
	v2 =	vor.u32 s31, v2  }
0x41: {  	v1 =	vor.u32 v1, v2  }
0x42: {  	s10 =	simm.s32 $0x800;
	s11 =	simm.s32 $0x480;
	s12 =	simm.s32 $0xC0;
	v1 =	vor.u32 v0, v1  }
0x43: {  	s7 =	simm.s32 $0x80;
	s8 =	simm.s32 $0x400;
	s9 =	simm.s32 $0x880;
	[tilespmem:s6+$0x70] =	vst v1  }
.LBB2_1:
0x44: {  	[tilespmem:s10], [sflag:$0x1] =	stream.indirect.gather [hbm4b:s4+s7], $0x1, s6, s7, $0xb8;
	[tilespmem:$0xD90] =	vst v63  }
0x45: {  	p0 =	sne.s32 s8, $0x1C00;
	s13 =	smov.u32 s8;
	s8 =	sadd.s32 $0x400, s8;
	v1 =	vld [tilespmem:s12+$0xFFFFFFC0]  }
0x46: {  	s10 =	smov.u32 s9;
	s6 =	smov.u32 s11;
	_ =	sdelay $0x3  }
0x47: {  	v2 =	vshll.u32 v1, $0xE;
	v1 =	vshll.u32 v1, $0x7  }
0x48: {  	s13 =	sadd.s32 s13, s5;
	v1 =	vand.u32 $0x380, v1  }
0x49: {  	v2 =	vand.u32 $0xFFFE0000, v2;
	v1 =	vor.u32 s13, v1  }
0x4a: {  	v1 =	vor.u32 v2, v1  }
0x4b: {  	v1 =	vor.u32 v0, v1  }
0x4c: {  	[tilespmem:s11+$0x0] =	vst v1  }
0x4d: {  	v1 =	vld [tilespmem:s12+$0xFFFFFFD0];
	_ =	sdelay $0x4  }
0x4e: {  	v2 =	vshll.u32 v1, $0xE;
	v1 =	vshll.u32 v1, $0x7  }
0x4f: {  	s14 =	sadd.s32 $0x10, s13;
	v1 =	vand.u32 $0x380, v1  }
0x50: {  	v2 =	vand.u32 $0xFFFE0000, v2;
	v1 =	vor.u32 s14, v1  }
0x51: {  	v1 =	vor.u32 v2, v1  }
0x52: {  	v1 =	vor.u32 v0, v1  }
0x53: {  	[tilespmem:s11+$0x10] =	vst v1  }
0x54: {  	v1 =	vld [tilespmem:s12+$0xFFFFFFE0];
	_ =	sdelay $0x4  }
0x55: {  	v2 =	vshll.u32 v1, $0xE;
	v1 =	vshll.u32 v1, $0x7  }
0x56: {  	s14 =	sadd.s32 $0x20, s13;
	v1 =	vand.u32 $0x380, v1  }
0x57: {  	v2 =	vand.u32 $0xFFFE0000, v2;
	v1 =	vor.u32 s14, v1  }
0x58: {  	v1 =	vor.u32 v2, v1  }
0x59: {  	v1 =	vor.u32 v0, v1  }
0x5a: {  	[tilespmem:s11+$0x20] =	vst v1  }
0x5b: {  	v1 =	vld [tilespmem:s12+$0xFFFFFFF0];
	_ =	sdelay $0x4  }
0x5c: {  	v2 =	vshll.u32 v1, $0xE;
	v1 =	vshll.u32 v1, $0x7  }
0x5d: {  	s14 =	sadd.s32 $0x30, s13;
	v1 =	vand.u32 $0x380, v1  }
0x5e: {  	v2 =	vand.u32 $0xFFFE0000, v2;
	v1 =	vor.u32 s14, v1  }
0x5f: {  	v1 =	vor.u32 v2, v1  }
0x60: {  	v1 =	vor.u32 v0, v1  }
0x61: {  	[tilespmem:s11+$0x30] =	vst v1  }
0x62: {  	v1 =	vld [tilespmem:s12+$0x0];
	_ =	sdelay $0x4  }
0x63: {  	v2 =	vshll.u32 v1, $0xE;
	v1 =	vshll.u32 v1, $0x7  }
0x64: {  	s14 =	sadd.s32 $0x40, s13;
	v1 =	vand.u32 $0x380, v1  }
0x65: {  	v2 =	vand.u32 $0xFFFE0000, v2;
	v1 =	vor.u32 s14, v1  }
0x66: {  	v1 =	vor.u32 v2, v1  }
0x67: {  	v1 =	vor.u32 v0, v1  }
0x68: {  	[tilespmem:s11+$0x40] =	vst v1  }
0x69: {  	v1 =	vld [tilespmem:s12+$0x10];
	_ =	sdelay $0x4  }
0x6a: {  	v2 =	vshll.u32 v1, $0xE;
	v1 =	vshll.u32 v1, $0x7  }
0x6b: {  	s14 =	sadd.s32 $0x50, s13;
	v1 =	vand.u32 $0x380, v1  }
0x6c: {  	v2 =	vand.u32 $0xFFFE0000, v2;
	v1 =	vor.u32 s14, v1  }
0x6d: {  	v1 =	vor.u32 v2, v1  }
0x6e: {  	v1 =	vor.u32 v0, v1  }
0x6f: {  	[tilespmem:s11+$0x50] =	vst v1  }
0x70: {  	v1 =	vld [tilespmem:s12+$0x20];
	_ =	sdelay $0x4  }
0x71: {  	v2 =	vshll.u32 v1, $0xE;
	v1 =	vshll.u32 v1, $0x7  }
0x72: {  	s14 =	sadd.s32 $0x60, s13;
	v1 =	vand.u32 $0x380, v1  }
0x73: {  	v2 =	vand.u32 $0xFFFE0000, v2;
	v1 =	vor.u32 s14, v1  }
0x74: {  	v1 =	vor.u32 v2, v1  }
0x75: {  	v1 =	vor.u32 v0, v1  }
0x76: {  	[tilespmem:s11+$0x60] =	vst v1  }
0x77: {  	v1 =	vld [tilespmem:s12+$0x30];
	_ =	sdelay $0x4  }
0x78: {  	v2 =	vshll.u32 v1, $0xE;
	v1 =	vshll.u32 v1, $0x7  }
.Ltmp0:
0x79: {  	s13 =	sadd.s32 $0x70, s13;
	v1 =	vand.u32 $0x380, v1;
	(pc) =	sbr.rel @p0 .LBB2_1-.Ltmp0, $4  }
0x7a: {  	v2 =	vand.u32 $0xFFFE0000, v2;
	v1 =	vor.u32 s13, v1  }
0x7b: {  	v1 =	vor.u32 v2, v1  }
0x7c: {  	v1 =	vor.u32 v0, v1  }
0x7d: {  	s9 =	sadd.s32 $0x80, s9;
	s11 =	sadd.s32 $0x80, s11;
	s12 =	sadd.s32 $0x80, s12;
	[tilespmem:s6+$0x70] =	vst v1  }
0x7e: {  	[tilespmem:s10], [sflag:$0x1] =	stream.indirect.gather [hbm4b:s4+s7], $0x1, s6, s7, $0xb8;
	[tilespmem:$0xD90] =	vst v63  }
0x7f: {  	s30 =	simm.s32 $0x1  }
0x80: {  	_ =	swait.ge [sflag:s30], $0x80  }
0x81: {  	[sflag:s30] =	ssyncset.done $0x0  }
0x82: {  	[sflag:s30] =	ssyncadd.s32 $0xFFFFFF80  }
0x83: {  	v0 =	vld [tilespmem:$0x800];
	_ =	sdelay $0x1  }
0x84: {  	v1 =	vld [tilespmem:$0x810];
	_ =	sdelay $0x1  }
0x85: {  	v2 =	vld [tilespmem:$0x820]  }
0x86: {  	v0 =	vadd.f32 $0.0e+00, v0  }
0x87: {  	v3 =	vld [tilespmem:$0x830]  }
0x88: {  	v0 =	vadd.f32 v1, v0  }
0x89: {  	v61 =	vld [tilespmem:$0x840]  }
0x8a: {  	v0 =	vadd.f32 v2, v0  }
0x8b: {  	v62 =	vld [tilespmem:$0x850]  }
0x8c: {  	v0 =	vadd.f32 v3, v0  }
0x8d: {  	v63 =	vld [tilespmem:$0x860]  }
0x8e: {  	v4 =	vld [tilespmem:$0x870];
	_ =	swait.ge [sflag:s30], $0x80;
	v0 =	vadd.f32 v61, v0  }
0x8f: {  	[sflag:s30] =	ssyncset.done $0x0  }
0x90: {  	[sflag:s30] =	ssyncadd.s32 $0xFFFFFF80;
	v0 =	vadd.f32 v62, v0  }
0x91: {  	v8 =	vld [tilespmem:$0x880]  }
0x92: {  	v0 =	vadd.f32 v63, v0  }
0x93: {  	v9 =	vld [tilespmem:$0x890]  }
0x94: {  	v0 =	vadd.f32 v4, v0  }
0x95: {  	v10 =	vld [tilespmem:$0x8A0]  }
0x96: {  	v0 =	vadd.f32 v8, v0  }
0x97: {  	v11 =	vld [tilespmem:$0x8B0]  }
0x98: {  	v0 =	vadd.f32 v9, v0  }
0x99: {  	v12 =	vld [tilespmem:$0x8C0]  }
0x9a: {  	v0 =	vadd.f32 v10, v0  }
0x9b: {  	v13 =	vld [tilespmem:$0x8D0]  }
0x9c: {  	v0 =	vadd.f32 v11, v0  }
0x9d: {  	v14 =	vld [tilespmem:$0x8E0]  }
0x9e: {  	v15 =	vld [tilespmem:$0x8F0];
	_ =	swait.ge [sflag:s30], $0x80;
	v0 =	vadd.f32 v12, v0  }
0x9f: {  	[sflag:s30] =	ssyncset.done $0x0  }
0xa0: {  	[sflag:s30] =	ssyncadd.s32 $0xFFFFFF80;
	v0 =	vadd.f32 v13, v0  }
0xa1: {  	v16 =	vld [tilespmem:$0x900]  }
0xa2: {  	v0 =	vadd.f32 v14, v0  }
0xa3: {  	v17 =	vld [tilespmem:$0x910]  }
0xa4: {  	v0 =	vadd.f32 v15, v0  }
0xa5: {  	v18 =	vld [tilespmem:$0x920]  }
0xa6: {  	v0 =	vadd.f32 v16, v0  }
0xa7: {  	v19 =	vld [tilespmem:$0x930]  }
0xa8: {  	v0 =	vadd.f32 v17, v0  }
0xa9: {  	v20 =	vld [tilespmem:$0x940]  }
0xaa: {  	v0 =	vadd.f32 v18, v0  }
0xab: {  	v21 =	vld [tilespmem:$0x950]  }
0xac: {  	v0 =	vadd.f32 v19, v0  }
0xad: {  	v22 =	vld [tilespmem:$0x960]  }
0xae: {  	v23 =	vld [tilespmem:$0x970];
	_ =	swait.ge [sflag:s30], $0x80;
	v0 =	vadd.f32 v20, v0  }
0xaf: {  	[sflag:s30] =	ssyncset.done $0x0  }
0xb0: {  	[sflag:s30] =	ssyncadd.s32 $0xFFFFFF80;
	v0 =	vadd.f32 v21, v0  }
0xb1: {  	v24 =	vld [tilespmem:$0x980]  }
0xb2: {  	v0 =	vadd.f32 v22, v0  }
0xb3: {  	v25 =	vld [tilespmem:$0x990]  }
0xb4: {  	v0 =	vadd.f32 v23, v0  }
0xb5: {  	v26 =	vld [tilespmem:$0x9A0]  }
0xb6: {  	v0 =	vadd.f32 v24, v0  }
0xb7: {  	v27 =	vld [tilespmem:$0x9B0]  }
0xb8: {  	v0 =	vadd.f32 v25, v0  }
0xb9: {  	v28 =	vld [tilespmem:$0x9C0]  }
0xba: {  	v0 =	vadd.f32 v26, v0  }
0xbb: {  	v29 =	vld [tilespmem:$0x9D0]  }
0xbc: {  	v0 =	vadd.f32 v27, v0  }
0xbd: {  	v30 =	vld [tilespmem:$0x9E0]  }
0xbe: {  	v31 =	vld [tilespmem:$0x9F0];
	_ =	swait.ge [sflag:s30], $0x80;
	v0 =	vadd.f32 v28, v0  }
0xbf: {  	[sflag:s30] =	ssyncset.done $0x0  }
0xc0: {  	[sflag:s30] =	ssyncadd.s32 $0xFFFFFF80;
	v0 =	vadd.f32 v29, v0  }
0xc1: {  	v32 =	vld [tilespmem:$0xA00]  }
0xc2: {  	v0 =	vadd.f32 v30, v0  }
0xc3: {  	v33 =	vld [tilespmem:$0xA10]  }
0xc4: {  	v0 =	vadd.f32 v31, v0  }
0xc5: {  	v34 =	vld [tilespmem:$0xA20]  }
0xc6: {  	v0 =	vadd.f32 v32, v0  }
0xc7: {  	v35 =	vld [tilespmem:$0xA30]  }
0xc8: {  	v0 =	vadd.f32 v33, v0  }
0xc9: {  	v36 =	vld [tilespmem:$0xA40]  }
0xca: {  	v0 =	vadd.f32 v34, v0  }
0xcb: {  	v37 =	vld [tilespmem:$0xA50]  }
0xcc: {  	v0 =	vadd.f32 v35, v0  }
0xcd: {  	v38 =	vld [tilespmem:$0xA60]  }
0xce: {  	v39 =	vld [tilespmem:$0xA70];
	_ =	swait.ge [sflag:s30], $0x80;
	v0 =	vadd.f32 v36, v0  }
0xcf: {  	[sflag:s30] =	ssyncset.done $0x0  }
0xd0: {  	[sflag:s30] =	ssyncadd.s32 $0xFFFFFF80;
	v0 =	vadd.f32 v37, v0  }
0xd1: {  	v40 =	vld [tilespmem:$0xA80]  }
0xd2: {  	v0 =	vadd.f32 v38, v0  }
0xd3: {  	v41 =	vld [tilespmem:$0xA90]  }
0xd4: {  	v0 =	vadd.f32 v39, v0  }
0xd5: {  	v42 =	vld [tilespmem:$0xAA0]  }
0xd6: {  	v0 =	vadd.f32 v40, v0  }
0xd7: {  	v43 =	vld [tilespmem:$0xAB0]  }
0xd8: {  	v0 =	vadd.f32 v41, v0  }
0xd9: {  	v44 =	vld [tilespmem:$0xAC0]  }
0xda: {  	v0 =	vadd.f32 v42, v0  }
0xdb: {  	v45 =	vld [tilespmem:$0xAD0]  }
0xdc: {  	v0 =	vadd.f32 v43, v0  }
0xdd: {  	v46 =	vld [tilespmem:$0xAE0]  }
0xde: {  	v47 =	vld [tilespmem:$0xAF0];
	_ =	swait.ge [sflag:s30], $0x80;
	v0 =	vadd.f32 v44, v0  }
0xdf: {  	[sflag:s30] =	ssyncset.done $0x0  }
0xe0: {  	[sflag:s30] =	ssyncadd.s32 $0xFFFFFF80;
	v0 =	vadd.f32 v45, v0  }
0xe1: {  	v48 =	vld [tilespmem:$0xB00]  }
0xe2: {  	v0 =	vadd.f32 v46, v0  }
0xe3: {  	v49 =	vld [tilespmem:$0xB10]  }
0xe4: {  	v0 =	vadd.f32 v47, v0  }
0xe5: {  	v50 =	vld [tilespmem:$0xB20]  }
0xe6: {  	v0 =	vadd.f32 v48, v0  }
0xe7: {  	v51 =	vld [tilespmem:$0xB30]  }
0xe8: {  	v0 =	vadd.f32 v49, v0  }
0xe9: {  	v52 =	vld [tilespmem:$0xB40]  }
0xea: {  	v0 =	vadd.f32 v50, v0  }
0xeb: {  	v53 =	vld [tilespmem:$0xB50]  }
0xec: {  	v0 =	vadd.f32 v51, v0  }
0xed: {  	v54 =	vld [tilespmem:$0xB60]  }
0xee: {  	v55 =	vld [tilespmem:$0xB70];
	_ =	swait.ge [sflag:s30], $0x80;
	v0 =	vadd.f32 v52, v0  }
0xef: {  	[sflag:s30] =	ssyncset.done $0x0  }
0xf0: {  	[sflag:s30] =	ssyncadd.s32 $0xFFFFFF80;
	v0 =	vadd.f32 v53, v0  }
0xf1: {  	v56 =	vld [tilespmem:$0xB80]  }
0xf2: {  	v0 =	vadd.f32 v54, v0  }
0xf3: {  	v57 =	vld [tilespmem:$0xB90]  }
0xf4: {  	v0 =	vadd.f32 v55, v0  }
0xf5: {  	v58 =	vld [tilespmem:$0xBA0]  }
0xf6: {  	v0 =	vadd.f32 v56, v0  }
0xf7: {  	v59 =	vld [tilespmem:$0xBB0]  }
0xf8: {  	v0 =	vadd.f32 v57, v0  }
0xf9: {  	v60 =	vld [tilespmem:$0xBC0]  }
0xfa: {  	v0 =	vadd.f32 v58, v0  }
0xfb: {  	v61 =	vld [tilespmem:$0xBD0]  }
0xfc: {  	v0 =	vadd.f32 v59, v0  }
0xfd: {  	v62 =	vld [tilespmem:$0xBE0]  }
0xfe: {  	v0 =	vadd.f32 v60, v0  }
0xff: {  	v63 =	vld [tilespmem:$0xBF0]  }
0x100: {  	v0 =	vadd.f32 v61, v0;
	_ =	sdelay $0x1  }
0x101: {  	v0 =	vadd.f32 v62, v0;
	_ =	sdelay $0x1  }
0x102: {  	v0 =	vadd.f32 v63, v0  }
0x103: {  	s31 =	sshll.u32 s3, $0x4  }
0x104: {  	s5 =	simm.s32 $0xC00;
	s4 =	sadd.s32 s31, s2;
	[tilespmem:$0xC00] =	vst v0  }
0x105: {  	[spmem:s4] =	stream.linear.scatter [tilespmem:s5], [sflag:$0x2], $0x10, $0x38;
	[tilespmem:$0xD90] =	vst v63  }
0x106: {  	s4 =	simm.s32 $0x2  }
0x107: {  	_ =	swait.ge [sflag:s4], $0x10  }
0x108: {  	[sflag:s4] =	ssyncset.done $0x0  }
0x109: {  	[sflag:s4] =	ssyncadd.s32 $0xFFFFFFF0  }
0x10a: {  	p0 =	sne.s32 s3, $0x0;
	[bflag:$0x0] =	sbarrier.arrive $0xFFFF  }
0x10b: {  	_ =	sfence.sel @p0 $0x180000  }
0x10c: {  	[bflag:$0x0] =	sbarrier.arrive @p0 $0xFFFF  }
0x10d: {  	_ =	strace @p0 $0x90000047  }
0x10e: {  	[bflag:$0x2] =	sbarrier.arrive @p0 $0xFFFF  }
0x10f: {  	_ =	shalt @p0  }
.LBB2_3:
0x110: {  	s3 =	simm.s32 $0xC80  }
0x111: {  	[tilespmem:s3], [sflag:$0x2] =	stream.linear.gather [spmem:s2], $0x100, $0x38;
	[tilespmem:$0xD90] =	vst v63  }
0x112: {  	_ =	swait.ge [sflag:s4], $0x100  }
0x113: {  	[sflag:s4] =	ssyncset.done $0x0  }
0x114: {  	[sflag:s4] =	ssyncadd.s32 $0xFFFFFF00  }
0x115: {  	v0 =	vld [tilespmem:$0xC80];
	_ =	sdelay $0x1  }
0x116: {  	v1 =	vld [tilespmem:$0xC90];
	_ =	sdelay $0x1  }
0x117: {  	v2 =	vld [tilespmem:$0xCA0]  }
0x118: {  	v0 =	vadd.f32 $0.0e+00, v0  }
0x119: {  	v3 =	vld [tilespmem:$0xCB0]  }
0x11a: {  	v0 =	vadd.f32 v1, v0  }
0x11b: {  	v51 =	vld [tilespmem:$0xCC0]  }
0x11c: {  	v0 =	vadd.f32 v2, v0  }
0x11d: {  	v52 =	vld [tilespmem:$0xCD0]  }
0x11e: {  	v0 =	vadd.f32 v3, v0  }
0x11f: {  	v53 =	vld [tilespmem:$0xCE0]  }
0x120: {  	v0 =	vadd.f32 v51, v0  }
0x121: {  	v54 =	vld [tilespmem:$0xCF0]  }
0x122: {  	v0 =	vadd.f32 v52, v0  }
0x123: {  	v55 =	vld [tilespmem:$0xD00]  }
0x124: {  	v0 =	vadd.f32 v53, v0  }
0x125: {  	v56 =	vld [tilespmem:$0xD10]  }
0x126: {  	v0 =	vadd.f32 v54, v0  }
0x127: {  	v57 =	vld [tilespmem:$0xD20]  }
0x128: {  	v0 =	vadd.f32 v55, v0  }
0x129: {  	v58 =	vld [tilespmem:$0xD30]  }
0x12a: {  	v0 =	vadd.f32 v56, v0  }
0x12b: {  	v59 =	vld [tilespmem:$0xD40]  }
0x12c: {  	v0 =	vadd.f32 v57, v0  }
0x12d: {  	v60 =	vld [tilespmem:$0xD50]  }
0x12e: {  	v0 =	vadd.f32 v58, v0  }
0x12f: {  	v61 =	vld [tilespmem:$0xD60]  }
0x130: {  	v0 =	vadd.f32 v59, v0  }
0x131: {  	v62 =	vld [tilespmem:$0xD70]  }
0x132: {  	v0 =	vadd.f32 v60, v0;
	_ =	sdelay $0x1  }
0x133: {  	v0 =	vadd.f32 v61, v0;
	_ =	sdelay $0x1  }
0x134: {  	v0 =	vadd.f32 v62, v0;
	_ =	sdelay $0x1  }
0x135: {  	(v2sf) =	vpush v0, $0x0  }
0x136: {  	(v2sf) =	vpush v0, $0x1;
	_ =	sdelay $0x1  }
0x137: {  	(v2sf) =	vpush v0, $0x2;
	_ =	sdelay $0x1  }
0x138: {  	(v2sf) =	vpush v0, $0x3;
	_ =	sdelay $0x1  }
0x139: {  	(v2sf) =	vpush v0, $0x4;
	_ =	sdelay $0x1  }
0x13a: {  	(v2sf) =	vpush v0, $0x5;
	_ =	sdelay $0x1  }
0x13b: {  	(v2sf) =	vpush v0, $0x6;
	_ =	sdelay $0x1  }
0x13c: {  	(v2sf) =	vpush v0, $0x7;
	_ =	sdelay $0x1  }
0x13d: {  	s14 =	spop (v2sf);
	(v2sf) =	vpush v0, $0x8  }
0x13e: {  	s15 =	spop (v2sf)  }
0x13f: {  	(v2sf) =	vpush v0, $0x9;
	s2 =	sadd.f32 s15, s14  }
0x140: {  	s16 =	spop (v2sf)  }
0x141: {  	(v2sf) =	vpush v0, $0xA;
	s2 =	sadd.f32 s2, s16  }
0x142: {  	s17 =	spop (v2sf)  }
0x143: {  	(v2sf) =	vpush v0, $0xB;
	s2 =	sadd.f32 s2, s17  }
0x144: {  	s18 =	spop (v2sf)  }
0x145: {  	(v2sf) =	vpush v0, $0xC;
	s2 =	sadd.f32 s2, s18  }
0x146: {  	s19 =	spop (v2sf)  }
0x147: {  	(v2sf) =	vpush v0, $0xD;
	s2 =	sadd.f32 s2, s19  }
0x148: {  	s20 =	spop (v2sf)  }
0x149: {  	(v2sf) =	vpush v0, $0xE;
	s2 =	sadd.f32 s2, s20  }
0x14a: {  	s21 =	spop (v2sf)  }
0x14b: {  	(v2sf) =	vpush v0, $0xF;
	s2 =	sadd.f32 s2, s21  }
0x14c: {  	s22 =	spop (v2sf)  }
0x14d: {  	s2 =	sadd.f32 s2, s22  }
0x14e: {  	s23 =	spop (v2sf)  }
0x14f: {  	s2 =	sadd.f32 s2, s23  }
0x150: {  	s24 =	spop (v2sf)  }
0x151: {  	s2 =	sadd.f32 s2, s24  }
0x152: {  	s25 =	spop (v2sf)  }
0x153: {  	s2 =	sadd.f32 s2, s25  }
0x154: {  	s26 =	spop (v2sf)  }
0x155: {  	s2 =	sadd.f32 s2, s26  }
0x156: {  	s28 =	spop (v2sf)  }
0x157: {  	s2 =	sadd.f32 s2, s28  }
0x158: {  	s29 =	spop (v2sf)  }
0x159: {  	s2 =	sadd.f32 s2, s29  }
0x15a: {  	s30 =	spop (v2sf)  }
0x15b: {  	s2 =	sadd.f32 s2, s30;
	_ =	sdelay $0x1  }
0x15c: {  	s2 =	smul.f32 $-1.907348630e-06, s2;
	_ =	sdelay $0x1  }
0x15d: {  	s2 =	sadd.f32 $2.000000000e+00, s2;
	_ =	sdelay $0x1  }
0x15e: {  	v63 =	vmov s2  }
0x15f: {  	s31 =	simm.s32 $0x0;
	[tilespmem:$0xC00] =	vst v63  }
0x160: {  	[hbm4b:s1+s31] =	stream.linear.scatter [tilespmem:s5], [sflag:$0x2], $0x80, $0x38;
	[tilespmem:$0xD90] =	vst v63  }
0x161: {  	_ =	swait.ge [sflag:s4], $0x80  }
0x162: {  	[sflag:s4] =	ssyncset.done $0x0  }
0x163: {  	[sflag:s4] =	ssyncadd.s32 $0xFFFFFF80  }
0x164: {  	_ =	sfence.sel $0x180000  }
0x165: {  	[bflag:$0x0] =	sbarrier.arrive $0xFFFF  }
0x166: {  	_ =	strace $0x90000047  }
0x167: {  	s0 =	sadd.s32 $0x100000, s0;
	[bflag:$0x2] =	sbarrier.arrive $0xFFFF  }
0x168: {  	[sflag:s0] =	ssyncadd.tile.s32 $0x1;
	_ =	shalt  }
.Lfunc_end2:
_tile_overlayer_lowered:
.L_overlay_start_2:
0x169: {  	(tag) =	ssettag $0x2  }
0x16a: {  	s0 =	rddreg [dreg:$0x0];
	s2 =	stileid.u32  }
0x16b: {  	s1 =	rddreg [dreg:$0x1];
	p0 =	sne.s32 s2, $0x0  }
0x16c: {  	s3 =	rddreg [dreg:$0x2];
	[bflag:$0x3] =	sbarrier.arrive $0xFFFF;
	s2 =	simm.s32 @!p0 $0x1C02  }
0x16d: {  	[timem:s3], [sflag:s2] =	dma.local @!p0 [hbm:s0], s1  }
0x16e: {  	s0 =	simm.s32 @!p0 $0x2  }
0x16f: {  	_ =	swait.ge @!p0 [sflag:s0], s1  }
0x170: {  	s1 =	ssub.s32 @!p0 $0x0, s1;
	[sflag:s0] =	ssyncset.done @!p0 $0x0  }
0x171: {  	[sflag:s0] =	ssyncadd.s32 @!p0 s1  }
0x172: {  	[bflag:$0x3] =	sbarrier.arrive $0xFFFF  }
0x173: {  	_ =	shalt  }

</sc_bundles>
